<compile_context>
chip_gen: v7x
topology: tpu7x:2x2x1
jax: 0.10.2.dev20260603
libtpu: 0.0.44.dev20260713+nightly
codegen_flags: <defaults>
</compile_context>

<pallas_src>
import functools

import jax
import jax.numpy as jnp
from jax.experimental import pallas as pl
from jax.experimental.pallas import tpu as pltpu
from jax.experimental.pallas import tpu_sc as plsc
from jax._src.pallas.core import Element as _Element

TOP_L = 5
CK = 1024
STATE_ROWS = 8
GATHER_WINDOW = 128


def _extract5(cand, cand_idx, scores, sidx):
    b = jnp.concatenate([cand, scores], axis=0)
    bi = jnp.concatenate([cand_idx, sidx], axis=0)
    ms, gs = [], []
    for _ in range(TOP_L):
        m = jnp.max(b, axis=0)
        eq = b == m[None, :]
        g = jnp.min(jnp.where(eq, bi, jnp.int32(2**30)), axis=0)
        b = jnp.where(eq, -jnp.inf, b)
        ms.append(m)
        gs.append(g)
    return ms, gs


def _stack_state(ms, gs):
    pad_s = [jnp.full_like(ms[0], -jnp.inf)] * (STATE_ROWS - TOP_L)
    pad_i = [jnp.zeros_like(gs[0])] * (STATE_ROWS - TOP_L)
    return jnp.stack(ms + pad_s, axis=0), jnp.stack(gs + pad_i, axis=0)


def _topk_body(q_ref, k_ref, idx_out_ref, scores_ref, sidx_ref, *, k_total):
    ki = pl.program_id(1)
    qt = q_ref.shape[1]

    @pl.when(ki == 0)
    def _init():
        scores_ref[...] = jnp.full(scores_ref.shape, -jnp.inf, jnp.float32)
        sidx_ref[...] = jnp.zeros(sidx_ref.shape, jnp.int32)

    chunk_off = jnp.minimum(ki * CK, k_total - CK)

    sub = CK // SUB
    fr = sub // 8
    c1s, c2s, i1s, i2s = [], [], [], []
    friota = jax.lax.broadcasted_iota(jnp.int32, (fr, qt), 0)
    for p in range(SUB):
        sp = jnp.dot(
            k_ref[p * sub:(p + 1) * sub, :],
            q_ref[...],
            preferred_element_type=jnp.float32,
        )
        s3 = sp.reshape(8, fr, qt)
        v1 = s3[0]
        t1 = jnp.zeros((fr, qt), jnp.int32)
        v2 = jnp.full((fr, qt), -jnp.inf, jnp.float32)
        t2 = jnp.zeros((fr, qt), jnp.int32)
        for t in range(1, 8):
            x = s3[t]
            gt1 = x > v1
            gt2 = x > v2
            v2 = jnp.where(gt1, v1, jnp.where(gt2, x, v2))
            t2 = jnp.where(gt1, t1, jnp.where(gt2, t, t2))
            v1 = jnp.where(gt1, x, v1)
            t1 = jnp.where(gt1, t, t1)
        off = chunk_off + p * sub
        c1s.append(v1)
        c2s.append(v2)
        i1s.append(off + t1 * fr + friota)
        i2s.append(off + t2 * fr + friota)
    f2 = jnp.concatenate(c2s, axis=0)
    f2i = jnp.concatenate(i2s, axis=0)
    g2 = (SUB * fr) // 8
    f23 = f2.reshape(8, g2, qt)
    f23i = f2i.reshape(8, g2, qt)
    fv = f23[0]
    fvi = f23i[0]
    for t in range(1, 8):
        x = f23[t]
        gt = x > fv
        fv = jnp.where(gt, x, fv)
        fvi = jnp.where(gt, f23i[t], fvi)
    cand = jnp.concatenate(c1s + [fv], axis=0)
    cand_idx = jnp.concatenate(i1s + [fvi], axis=0)
    ms, gs = _extract5(cand, cand_idx, scores_ref[...], sidx_ref[...])
    new_scores, new_idx = _stack_state(ms, gs)
    scores_ref[...] = new_scores
    sidx_ref[...] = new_idx
    idx_out_ref[...] = new_idx


QSPLIT = 1
SUB = 8


def _run_topk(qT, keys):
    d, q = qT.shape
    k_total = keys.shape[0]
    qt = q // QSPLIT
    assert CK % 8 == 0 and k_total % 8 == 0 and k_total >= CK
    nchunks = pl.cdiv(k_total, CK)

    def _k_index(qi, ki):
        return (jnp.minimum(ki * (CK // 8), (k_total - CK) // 8) * 8, 0)

    return pl.pallas_call(
        functools.partial(_topk_body, k_total=k_total),
        grid=(QSPLIT, nchunks),
        in_specs=[
            pl.BlockSpec((d, qt), lambda qi, ki: (0, qi)),
            pl.BlockSpec((_Element(CK), _Element(d)), _k_index),
        ],
        out_specs=pl.BlockSpec((STATE_ROWS, qt), lambda qi, ki: (0, qi)),
        out_shape=jax.ShapeDtypeStruct((STATE_ROWS, q), jnp.int32),
        scratch_shapes=[
            pltpu.VMEM((STATE_ROWS, qt), jnp.float32),
            pltpu.VMEM((STATE_ROWS, qt), jnp.int32),
        ],
        compiler_params=pltpu.CompilerParams(
            dimension_semantics=("arbitrary", "arbitrary")
        ),
    )(qT, keys)


def _sc_gather(keys, idx_flat):
    k_rows, d_full = keys.shape
    keys = keys.reshape(k_rows * 2, d_full // 2)
    idx_flat = jnp.stack([2 * idx_flat, 2 * idx_flat + 1], axis=1).reshape(-1)
    n = idx_flat.shape[0]
    d = keys.shape[1]
    idx2 = idx_flat.reshape(1, n)
    mesh = plsc.VectorSubcoreMesh(core_axis_name="core", subcore_axis_name="subcore")

    @functools.partial(
        pl.kernel,
        out_type=jax.ShapeDtypeStruct((n, d), keys.dtype),
        mesh=mesh,
    )
    def gather_kernel(x_hbm, i_hbm, o_hbm):
        def body(i_vmem, o_vmem):
            pltpu.sync_copy(x_hbm.at[i_vmem.at[0]], o_vmem)

        pltpu.emit_pipeline(
            body,
            grid=(n // GATHER_WINDOW,),
            in_specs=[pl.BlockSpec((1, GATHER_WINDOW), index_map=lambda i: (0, i))],
            out_specs=[pl.BlockSpec((GATHER_WINDOW, d), index_map=lambda i: (i, 0))],
            core_axis_name=("core", "subcore"),
            dimension_semantics=(pltpu.PARALLEL,),
        )(i_hbm, o_hbm)

    return gather_kernel(keys, idx2)


def _proj_body(g_ref, wT_ref, b_ref, o_ref):
    mean = jnp.sum(g_ref[...], axis=0) * (1.0 / TOP_L)
    o_ref[...] = (
        jnp.dot(mean, wT_ref[...], preferred_element_type=jnp.float32) + b_ref[...]
    )


def _run_proj(gathered3, wT, b2):
    l, q, d = gathered3.shape
    h = wT.shape[1]
    qt = min(512, q)
    return pl.pallas_call(
        _proj_body,
        grid=(q // qt,),
        in_specs=[
            pl.BlockSpec((l, qt, d), lambda qi: (0, qi, 0)),
            pl.BlockSpec((d, h), lambda qi: (0, 0)),
            pl.BlockSpec((1, h), lambda qi: (0, 0)),
        ],
        out_specs=pl.BlockSpec((qt, h), lambda qi: (qi, 0)),
        out_shape=jax.ShapeDtypeStruct((q, h), jnp.float32),
        compiler_params=pltpu.CompilerParams(dimension_semantics=("parallel",)),
    )(gathered3, wT, b2)


def kernel(queries, keys, W, b):
    q, d = queries.shape
    h = W.shape[0]
    idx8 = _run_topk(queries.T, keys)
    idx_flat = idx8[:TOP_L].reshape(TOP_L * q)
    gathered = _sc_gather(keys, idx_flat)
    gathered3 = gathered.reshape(TOP_L, q, d)
    return _run_proj(gathered3, W.T, b.reshape(1, h))

# --- scband reference (transcript-rebuilt; emitter-appended) ---
"""Pipeline reference for scband-knowledge-retriever-75857712382404 (READ-ONLY COPY).

The authoritative reference and input builder live on the scoring server;
editing this copy changes nothing except your own understanding.
"""

import jax, jax.numpy as jnp
import numpy as np

Q, K, D, H, TOP_L = 4096, 100000, 768, 512, 5

def setup_inputs(seed: int = 0) -> dict:
    key = jax.random.key(seed)
    k1, k2, k3 = jax.random.split(key, 3)
    queries = jax.random.normal(k1, (Q, D), dtype=jnp.float32)
    keys = jax.random.normal(k2, (K, D), dtype=jnp.float32)
    # projection: nn.Linear(dpr_hidden_dim=768, hidden_dim=512), xavier_uniform gain=0.1, zero bias
    limit = 0.1 * float(np.sqrt(6.0 / (D + H)))
    W = jax.random.uniform(k3, (H, D), minval=-limit, maxval=limit, dtype=jnp.float32)
    b = jnp.zeros((H,), dtype=jnp.float32)
    return {"queries": queries, "keys": keys, "W": W, "b": b}

def reference(queries, keys, W, b):
    # similarity(H, r) = Ec(H)^T Eq(r): dense dot-product retrieval (Eq. 3)
    sims = jnp.matmul(queries, keys.T)  # [Q, K]
    top_scores, top_idx = jax.lax.top_k(sims, TOP_L)  # [Q, TOP_L]
    # re-embed retrieved responses -> gather their precomputed embeddings
    gathered = jnp.take(keys, top_idx, axis=0)  # [Q, TOP_L, D]
    # projection to hidden_dim, then mean-pool over top_l (Eq. 4)
    projected = jnp.einsum('qld,hd->qlh', gathered, W) + b  # [Q, TOP_L, H]
    he = jnp.mean(projected, axis=1)  # [Q, H]
    return he

if __name__ == "__main__":
    import jax
    _d = setup_inputs()
    print(jax.jit(kernel)(*tuple(_d.values())))

</pallas_src>

<mosaic_0001>
#map = affine_map<(d0, d1) -> (0, 0)>
module attributes {stable_mosaic.version = 14 : i64} {
  func.func @gather_kernel(%arg0: i32, %arg1: i32, %arg2: memref<200000x384xf32, #tpu.memory_space<hbm>>, %arg3: memref<1x40960xi32, #tpu.memory_space<hbm>>, %arg4: memref<40960x384xf32, #tpu.memory_space<hbm>>) attributes {dimension_semantics = [#tpu.dimension_semantics<core_parallel>, #tpu.dimension_semantics<subcore_parallel>], iteration_bounds = array<i64: 2, 16>, scalar_prefetch = 0 : i64, scratch_operands = 0 : i64, tpu.core_type = #tpu.core_type<sc_vector_subcore>, window_params = [{transform_indices = #map}, {transform_indices = #map}, {transform_indices = #map}]} {
    %mul3A = arith.constant 1 : i32
    %mul3A_0 = arith.muli %arg1, %mul3A : i32
    %add3A = arith.constant 0 : i32
    %add3A_1 = arith.addi %add3A, %mul3A_0 : i32
    %mul3A_2 = arith.constant 16 : i32
    %mul3A_3 = arith.muli %arg0, %mul3A_2 : i32
    %add3A_4 = arith.addi %add3A_1, %mul3A_3 : i32
    %mul3A_5 = arith.constant 10 : i32
    %mul3A_6 = arith.muli %add3A_4, %mul3A_5 : i32
    "tpu.region"() ({
      %run_scoped3A = memref.alloca() : memref<2x1x128xi32, #tpu.memory_space<vmem>>
      %run_scoped3A_7 = tpu.sem_alloc : memref<2x!tpu.dma_semaphore, #tpu.memory_space<semaphore_mem>>
      %run_scoped3A_8 = memref.alloca() : memref<2x128x384xf32, #tpu.memory_space<vmem>>
      %run_scoped3A_9 = tpu.sem_alloc : memref<2x!tpu.dma_semaphore, #tpu.memory_space<semaphore_mem>>
      %add3A_10 = arith.constant 0 : i32
      %add3A_11 = arith.addi %add3A_10, %mul3A_6 : i32
      %select_n3A = arith.constant true
      %select_n3A_12 = arith.constant 0 : i32
      %select_n3A_13 = arith.constant -1 : i32
      %select_n3A_14 = arith.select %select_n3A, %select_n3A_13, %select_n3A_12 : i32
      %eq3A = arith.constant -1 : i32
      %eq3A_15 = arith.cmpi eq, %select_n3A_14, %eq3A : i32
      %select_n3A_16 = arith.constant 9 : i32
      %select_n3A_17 = arith.select %eq3A_15, %select_n3A_16, %select_n3A_14 : i32
      %add3A_18 = arith.addi %select_n3A_17, %mul3A_6 : i32
      %select_n3A_19 = arith.constant true
      %select_n3A_20 = arith.constant 0 : i32
      %select_n3A_21 = arith.constant 1 : i32
      %select_n3A_22 = arith.select %select_n3A_19, %select_n3A_21, %select_n3A_20 : i32
      %eq3A_23 = arith.constant 10 : i32
      %eq3A_24 = arith.cmpi eq, %select_n3A_22, %eq3A_23 : i32
      %select_n3A_25 = arith.constant 0 : i32
      %select_n3A_26 = arith.select %eq3A_24, %select_n3A_25, %select_n3A_22 : i32
      %add3A_27 = arith.addi %select_n3A_26, %mul3A_6 : i32
      %add3A_28 = arith.constant 1 : i32
      %add3A_29 = arith.addi %select_n3A_26, %add3A_28 : i32
      %select_n3A_30 = arith.constant true
      %select_n3A_31 = arith.select %select_n3A_30, %add3A_29, %select_n3A_26 : i32
      %eq3A_32 = arith.constant 10 : i32
      %eq3A_33 = arith.cmpi eq, %select_n3A_31, %eq3A_32 : i32
      %select_n3A_34 = arith.constant 0 : i32
      %select_n3A_35 = arith.select %eq3A_33, %select_n3A_34, %select_n3A_31 : i32
      %add3A_36 = arith.addi %select_n3A_35, %mul3A_6 : i32
      "tpu.trace_start"() <{level = 10 : i32, message = "ep_initialize_0"}> : () -> ()
      %rem3A = arith.constant 0 : i32
      %rem3A_37 = arith.constant 2 : i32
      %rem3A_38 = arith.remui %rem3A, %rem3A_37 : i32
      %mul3A_39 = arith.constant 128 : i32
      %mul3A_40 = arith.muli %mul3A_39, %add3A_11 : i32
      %dma_start3A = arith.constant 0 : i32
      %dma_start3A_41 = arith.constant 0 : i32
      %dma_start3A_42 = tpu.memref_slice %run_scoped3A[%rem3A_38, %dma_start3A, %dma_start3A_41] : memref<2x1x128xi32, #tpu.memory_space<vmem>> -> memref<1x1x128xi32, #tpu.memory_space<vmem>>
      %dma_start3A_43 = tpu.memref_squeeze %dma_start3A_42 : memref<1x1x128xi32, #tpu.memory_space<vmem>> -> memref<1x128xi32, #tpu.memory_space<vmem>>
      %dma_start3A_44 = arith.constant 0 : i32
      %dma_start3A_45 = tpu.memref_slice %arg3[%dma_start3A_44, %mul3A_40] : memref<1x40960xi32, #tpu.memory_space<hbm>> -> memref<1x128xi32, #tpu.memory_space<hbm>>
      %dma_start3A_46 = tpu.memref_slice %run_scoped3A_7[%rem3A_38] : memref<2x!tpu.dma_semaphore, #tpu.memory_space<semaphore_mem>> -> memref<1x!tpu.dma_semaphore, #tpu.memory_space<semaphore_mem>>
      %dma_start3A_47 = tpu.memref_squeeze %dma_start3A_46 : memref<1x!tpu.dma_semaphore, #tpu.memory_space<semaphore_mem>> -> memref<!tpu.dma_semaphore, #tpu.memory_space<semaphore_mem>>
      %dma_start3A_48 = arith.constant 0 : i32
      %dma_start3A_49 = arith.constant 0 : i32
      %dma_start3A_50 = tpu.memref_slice %run_scoped3A[%rem3A_38, %dma_start3A_48, %dma_start3A_49] : memref<2x1x128xi32, #tpu.memory_space<vmem>> -> memref<1x1x128xi32, #tpu.memory_space<vmem>>
      %dma_start3A_51 = tpu.memref_squeeze %dma_start3A_50 : memref<1x1x128xi32, #tpu.memory_space<vmem>> -> memref<1x128xi32, #tpu.memory_space<vmem>>
      %dma_start3A_52 = arith.constant 0 : i32
      %dma_start3A_53 = tpu.memref_slice %arg3[%dma_start3A_52, %mul3A_40] : memref<1x40960xi32, #tpu.memory_space<hbm>> -> memref<1x128xi32, #tpu.memory_space<hbm>>
      tpu.enqueue_dma source(%dma_start3A_53 : memref<1x128xi32, #tpu.memory_space<hbm>>) target(%dma_start3A_51 : memref<1x128xi32, #tpu.memory_space<vmem>>) target_semaphore(%dma_start3A_47 : memref<!tpu.dma_semaphore, #tpu.memory_space<semaphore_mem>>)
      %add3A_54 = arith.constant 0 : i32
      %add3A_55 = arith.constant 1 : i32
      %add3A_56 = arith.addi %add3A_54, %add3A_55 : i32
      %select_n3A_57 = arith.constant true
      %select_n3A_58 = arith.constant 0 : i32
      %select_n3A_59 = arith.select %select_n3A_57, %add3A_56, %select_n3A_58 : i32
      "tpu.trace_stop"() : () -> ()
      %scan3A = arith.constant 0 : i32
      %scan3A_60 = arith.constant 0 : i32
      %scan3A_61 = arith.constant 0 : i32
      %scan3A_62 = arith.constant 0 : i32
      %scan3A_63 = arith.constant 0 : i32
      %scan3A_64 = arith.constant 10 : i32
      %scan3A_65 = arith.addi %scan3A_63, %scan3A_64 : i32
      %scan3A_66 = arith.constant 1 : i32
      %scan3A_67:5 = scf.for %scan3A_121 = %scan3A_63 to %scan3A_65 step %scan3A_66 iter_args(%scan3A_122 = %select_n3A_59, %scan3A_123 = %scan3A, %scan3A_124 = %scan3A_60, %scan3A_125 = %scan3A_61, %scan3A_126 = %scan3A_62) -> (i32, i32, i32, i32, i32)  : i32 {
        %eq3A_127 = arith.constant 0 : i32
        %eq3A_128 = arith.cmpi eq, %scan3A_121, %eq3A_127 : i32
        %eq3A_129 = arith.constant 9 : i32
        %eq3A_130 = arith.cmpi eq, %scan3A_121, %eq3A_129 : i32
        %add3A_131 = arith.addi %scan3A_126, %mul3A_6 : i32
        %sub3A_132 = arith.constant 1 : i32
        %sub3A_133 = arith.subi %scan3A_126, %sub3A_132 : i32
        %select_n3A_134 = arith.constant true
        %select_n3A_135 = arith.select %select_n3A_134, %sub3A_133, %scan3A_126 : i32
        %eq3A_136 = arith.constant -1 : i32
        %eq3A_137 = arith.cmpi eq, %select_n3A_135, %eq3A_136 : i32
        %select_n3A_138 = arith.constant 9 : i32
        %select_n3A_139 = arith.select %eq3A_137, %select_n3A_138, %select_n3A_135 : i32
        %add3A_140 = arith.addi %select_n3A_139, %mul3A_6 : i32
        %add3A_141 = arith.constant 1 : i32
        %add3A_142 = arith.addi %scan3A_126, %add3A_141 : i32
        %select_n3A_143 = arith.constant true
        %select_n3A_144 = arith.select %select_n3A_143, %add3A_142, %scan3A_126 : i32
        %eq3A_145 = arith.constant 10 : i32
        %eq3A_146 = arith.cmpi eq, %select_n3A_144, %eq3A_145 : i32
        %select_n3A_147 = arith.constant 0 : i32
        %select_n3A_148 = arith.select %eq3A_146, %select_n3A_147, %select_n3A_144 : i32
        %add3A_149 = arith.addi %select_n3A_148, %mul3A_6 : i32
        %add3A_150 = arith.constant 1 : i32
        %add3A_151 = arith.addi %select_n3A_148, %add3A_150 : i32
        %select_n3A_152 = arith.constant true
        %select_n3A_153 = arith.select %select_n3A_152, %add3A_151, %select_n3A_148 : i32
        %eq3A_154 = arith.constant 10 : i32
        %eq3A_155 = arith.cmpi eq, %select_n3A_153, %eq3A_154 : i32
        %select_n3A_156 = arith.constant 0 : i32
        %select_n3A_157 = arith.select %eq3A_155, %select_n3A_156, %select_n3A_153 : i32
        %add3A_158 = arith.addi %select_n3A_157, %mul3A_6 : i32
        %ne3A = arith.cmpi ne, %add3A_131, %add3A_149 : i32
        %or3A = arith.constant false
        %or3A_159 = arith.ori %or3A, %ne3A : i1
        %ge3A = arith.constant 9 : i32
        %ge3A_160 = arith.cmpi sge, %scan3A_121, %ge3A : i32
        %not3A = arith.constant true
        %not3A_161 = arith.xori %ge3A_160, %not3A : i1
        %and3A = arith.andi %or3A_159, %not3A_161 : i1
        %convert_element_type3A = arith.extui %and3A : i1 to i32
        %cond3A = arith.constant 0 : i32
        %cond3A_162 = arith.cmpi ne, %convert_element_type3A, %cond3A : i32
        scf.if %cond3A_162 {
          "tpu.trace_start"() <{level = 10 : i32, message = "ep_copy_in"}> : () -> ()
          %rem3A_264 = arith.constant 2 : i32
          %rem3A_265 = arith.remui %scan3A_122, %rem3A_264 : i32
          %mul3A_266 = arith.constant 128 : i32
          %mul3A_267 = arith.muli %mul3A_266, %add3A_149 : i32
          %dma_start3A_268 = arith.constant 0 : i32
          %dma_start3A_269 = arith.constant 0 : i32
          %dma_start3A_270 = tpu.memref_slice %run_scoped3A[%rem3A_265, %dma_start3A_268, %dma_start3A_269] : memref<2x1x128xi32, #tpu.memory_space<vmem>> -> memref<1x1x128xi32, #tpu.memory_space<vmem>>
          %dma_start3A_271 = tpu.memref_squeeze %dma_start3A_270 : memref<1x1x128xi32, #tpu.memory_space<vmem>> -> memref<1x128xi32, #tpu.memory_space<vmem>>
          %dma_start3A_272 = arith.constant 0 : i32
          %dma_start3A_273 = tpu.memref_slice %arg3[%dma_start3A_272, %mul3A_267] : memref<1x40960xi32, #tpu.memory_space<hbm>> -> memref<1x128xi32, #tpu.memory_space<hbm>>
          %dma_start3A_274 = tpu.memref_slice %run_scoped3A_7[%rem3A_265] : memref<2x!tpu.dma_semaphore, #tpu.memory_space<semaphore_mem>> -> memref<1x!tpu.dma_semaphore, #tpu.memory_space<semaphore_mem>>
          %dma_start3A_275 = tpu.memref_squeeze %dma_start3A_274 : memref<1x!tpu.dma_semaphore, #tpu.memory_space<semaphore_mem>> -> memref<!tpu.dma_semaphore, #tpu.memory_space<semaphore_mem>>
          %dma_start3A_276 = arith.constant 0 : i32
          %dma_start3A_277 = arith.constant 0 : i32
          %dma_start3A_278 = tpu.memref_slice %run_scoped3A[%rem3A_265, %dma_start3A_276, %dma_start3A_277] : memref<2x1x128xi32, #tpu.memory_space<vmem>> -> memref<1x1x128xi32, #tpu.memory_space<vmem>>
          %dma_start3A_279 = tpu.memref_squeeze %dma_start3A_278 : memref<1x1x128xi32, #tpu.memory_space<vmem>> -> memref<1x128xi32, #tpu.memory_space<vmem>>
          %dma_start3A_280 = arith.constant 0 : i32
          %dma_start3A_281 = tpu.memref_slice %arg3[%dma_start3A_280, %mul3A_267] : memref<1x40960xi32, #tpu.memory_space<hbm>> -> memref<1x128xi32, #tpu.memory_space<hbm>>
          tpu.enqueue_dma source(%dma_start3A_281 : memref<1x128xi32, #tpu.memory_space<hbm>>) target(%dma_start3A_279 : memref<1x128xi32, #tpu.memory_space<vmem>>) target_semaphore(%dma_start3A_275 : memref<!tpu.dma_semaphore, #tpu.memory_space<semaphore_mem>>)
          "tpu.trace_stop"() : () -> ()
        } else {
        }
        %and3A_163 = arith.constant true
        %and3A_164 = arith.andi %and3A, %and3A_163 : i1
        %add3A_165 = arith.constant 1 : i32
        %add3A_166 = arith.addi %scan3A_122, %add3A_165 : i32
        %select_n3A_167 = arith.select %and3A_164, %add3A_166, %scan3A_122 : i32
        %ne3A_168 = arith.cmpi ne, %add3A_131, %add3A_149 : i32
        %or3A_169 = arith.constant false
        %or3A_170 = arith.ori %or3A_169, %ne3A_168 : i1
        %or3A_171 = arith.constant false
        %or3A_172 = arith.ori %or3A_170, %or3A_171 : i1
        %ge3A_173 = arith.constant 9 : i32
        %ge3A_174 = arith.cmpi sge, %scan3A_121, %ge3A_173 : i32
        %not3A_175 = arith.constant true
        %not3A_176 = arith.xori %ge3A_174, %not3A_175 : i1
        %and3A_177 = arith.andi %or3A_172, %not3A_176 : i1
        %ne3A_178 = arith.cmpi ne, %add3A_131, %add3A_140 : i32
        %or3A_179 = arith.constant false
        %or3A_180 = arith.ori %or3A_179, %ne3A_178 : i1
        %or3A_181 = arith.ori %or3A_180, %eq3A_128 : i1
        %convert_element_type3A_182 = arith.extui %or3A_181 : i1 to i32
        %cond3A_183 = arith.constant 0 : i32
        %cond3A_184 = arith.cmpi ne, %convert_element_type3A_182, %cond3A_183 : i32
        scf.if %cond3A_184 {
          "tpu.trace_start"() <{level = 10 : i32, message = "ep_wait_in"}> : () -> ()
          %mul3A_264 = arith.constant 128 : i32
          %mul3A_265 = arith.muli %mul3A_264, %add3A_131 : i32
          %rem3A_266 = arith.constant 2 : i32
          %rem3A_267 = arith.remui %scan3A_123, %rem3A_266 : i32
          %dma_wait3A_268 = arith.constant 0 : i32
          %dma_wait3A_269 = arith.constant 0 : i32
          %dma_wait3A_270 = tpu.memref_slice %run_scoped3A[%rem3A_267, %dma_wait3A_268, %dma_wait3A_269] : memref<2x1x128xi32, #tpu.memory_space<vmem>> -> memref<1x1x128xi32, #tpu.memory_space<vmem>>
          %dma_wait3A_271 = tpu.memref_squeeze %dma_wait3A_270 : memref<1x1x128xi32, #tpu.memory_space<vmem>> -> memref<1x128xi32, #tpu.memory_space<vmem>>
          %dma_wait3A_272 = arith.constant 0 : i32
          %dma_wait3A_273 = tpu.memref_slice %arg3[%dma_wait3A_272, %mul3A_265] : memref<1x40960xi32, #tpu.memory_space<hbm>> -> memref<1x128xi32, #tpu.memory_space<hbm>>
          %dma_wait3A_274 = tpu.memref_slice %run_scoped3A_7[%rem3A_267] : memref<2x!tpu.dma_semaphore, #tpu.memory_space<semaphore_mem>> -> memref<1x!tpu.dma_semaphore, #tpu.memory_space<semaphore_mem>>
          %dma_wait3A_275 = tpu.memref_squeeze %dma_wait3A_274 : memref<1x!tpu.dma_semaphore, #tpu.memory_space<semaphore_mem>> -> memref<!tpu.dma_semaphore, #tpu.memory_space<semaphore_mem>>
          %dma_wait3A_276 = arith.constant 0 : i32
          %dma_wait3A_277 = arith.constant 0 : i32
          %dma_wait3A_278 = tpu.memref_slice %run_scoped3A[%rem3A_267, %dma_wait3A_276, %dma_wait3A_277] : memref<2x1x128xi32, #tpu.memory_space<vmem>> -> memref<1x1x128xi32, #tpu.memory_space<vmem>>
          %dma_wait3A_279 = tpu.memref_squeeze %dma_wait3A_278 : memref<1x1x128xi32, #tpu.memory_space<vmem>> -> memref<1x128xi32, #tpu.memory_space<vmem>>
          %dma_wait3A_280 = arith.constant 0 : i32
          %dma_wait3A_281 = tpu.memref_slice %arg3[%dma_wait3A_280, %mul3A_265] : memref<1x40960xi32, #tpu.memory_space<hbm>> -> memref<1x128xi32, #tpu.memory_space<hbm>>
          tpu.wait_dma2 semaphore(%dma_wait3A_275 : memref<!tpu.dma_semaphore, #tpu.memory_space<semaphore_mem>>) src(%dma_wait3A_281 : memref<1x128xi32, #tpu.memory_space<hbm>>) dst(%dma_wait3A_279 : memref<1x128xi32, #tpu.memory_space<vmem>>)
          "tpu.trace_stop"() : () -> ()
        } else {
        }
        %ne3A_185 = arith.cmpi ne, %add3A_131, %add3A_140 : i32
        %or3A_186 = arith.constant false
        %or3A_187 = arith.ori %or3A_186, %ne3A_185 : i1
        %or3A_188 = arith.constant false
        %or3A_189 = arith.ori %or3A_187, %or3A_188 : i1
        %or3A_190 = arith.ori %or3A_189, %eq3A_128 : i1
        %convert_element_type3A_191 = arith.extui %or3A_190 : i1 to i32
        %cond3A_192 = arith.constant 0 : i32
        %cond3A_193 = arith.cmpi ne, %convert_element_type3A_191, %cond3A_192 : i32
        scf.if %cond3A_193 {
        } else {
        }
        %rem3A_194 = arith.constant 2 : i32
        %rem3A_195 = arith.remui %scan3A_123, %rem3A_194 : i32
        %rem3A_196 = arith.constant 2 : i32
        %rem3A_197 = arith.remui %scan3A_124, %rem3A_196 : i32
        %run_scoped3A_198 = arith.constant 0 : i32
        "tpu.trace_start"() <{level = 10 : i32, message = "ep_run_kernel"}> : () -> ()
        "tpu.region"() ({
          %run_scoped3A_264 = tpu.sem_alloc : memref<!tpu.dma_semaphore, #tpu.memory_space<semaphore_mem>>
          %dma_start3A_265 = arith.constant 0 : i32
          %dma_start3A_266 = arith.constant 0 : i32
          %dma_start3A_267 = tpu.memref_slice %run_scoped3A_8[%rem3A_197, %dma_start3A_265, %dma_start3A_266] : memref<2x128x384xf32, #tpu.memory_space<vmem>> -> memref<1x128x384xf32, #tpu.memory_space<vmem>>
          %dma_start3A_268 = tpu.memref_squeeze %dma_start3A_267 : memref<1x128x384xf32, #tpu.memory_space<vmem>> -> memref<128x384xf32, #tpu.memory_space<vmem>>
          %dma_start3A_269 = arith.constant 0 : i32
          %dma_start3A_270 = arith.constant 0 : i32
          %dma_start3A_271 = tpu.memref_slice %run_scoped3A[%rem3A_195, %dma_start3A_269, %dma_start3A_270] : memref<2x1x128xi32, #tpu.memory_space<vmem>> -> memref<1x1x128xi32, #tpu.memory_space<vmem>>
          %dma_start3A_272 = tpu.memref_squeeze %dma_start3A_271 : memref<1x1x128xi32, #tpu.memory_space<vmem>> -> memref<1x128xi32, #tpu.memory_space<vmem>>
          %dma_start3A_273 = arith.constant 0 : i32
          %dma_start3A_274 = tpu.memref_slice %dma_start3A_272[%run_scoped3A_198, %dma_start3A_273] : memref<1x128xi32, #tpu.memory_space<vmem>> -> memref<1x128xi32, #tpu.memory_space<vmem>>
          %dma_start3A_275 = tpu.memref_squeeze %dma_start3A_274 : memref<1x128xi32, #tpu.memory_space<vmem>> -> memref<128xi32, #tpu.memory_space<vmem>>
          %dma_start3A_276 = arith.constant 0 : i32
          %dma_start3A_277 = arith.constant 0 : i32
          %dma_start3A_278 = tpu.memref_slice %arg2[%dma_start3A_276, %dma_start3A_277] : memref<200000x384xf32, #tpu.memory_space<hbm>> -> memref<200000x384xf32, #tpu.memory_space<hbm>>
          tpu.enqueue_indirect_dma source(%dma_start3A_278 : memref<200000x384xf32, #tpu.memory_space<hbm>>) target(%dma_start3A_268 : memref<128x384xf32, #tpu.memory_space<vmem>>) offsets(%dma_start3A_275 : memref<128xi32, #tpu.memory_space<vmem>>) semaphore(%run_scoped3A_264 : memref<!tpu.dma_semaphore, #tpu.memory_space<semaphore_mem>>)
          %dma_wait3A_279 = arith.constant 0 : i32
          %dma_wait3A_280 = arith.constant 0 : i32
          %dma_wait3A_281 = tpu.memref_slice %run_scoped3A_8[%rem3A_197, %dma_wait3A_279, %dma_wait3A_280] : memref<2x128x384xf32, #tpu.memory_space<vmem>> -> memref<1x128x384xf32, #tpu.memory_space<vmem>>
          %dma_wait3A_282 = tpu.memref_squeeze %dma_wait3A_281 : memref<1x128x384xf32, #tpu.memory_space<vmem>> -> memref<128x384xf32, #tpu.memory_space<vmem>>
          %dma_wait3A_283 = arith.constant 0 : i32
          %dma_wait3A_284 = arith.constant 0 : i32
          %dma_wait3A_285 = tpu.memref_slice %run_scoped3A[%rem3A_195, %dma_wait3A_283, %dma_wait3A_284] : memref<2x1x128xi32, #tpu.memory_space<vmem>> -> memref<1x1x128xi32, #tpu.memory_space<vmem>>
          %dma_wait3A_286 = tpu.memref_squeeze %dma_wait3A_285 : memref<1x1x128xi32, #tpu.memory_space<vmem>> -> memref<1x128xi32, #tpu.memory_space<vmem>>
          %dma_wait3A_287 = arith.constant 0 : i32
          %dma_wait3A_288 = tpu.memref_slice %dma_wait3A_286[%run_scoped3A_198, %dma_wait3A_287] : memref<1x128xi32, #tpu.memory_space<vmem>> -> memref<1x128xi32, #tpu.memory_space<vmem>>
          %dma_wait3A_289 = tpu.memref_squeeze %dma_wait3A_288 : memref<1x128xi32, #tpu.memory_space<vmem>> -> memref<128xi32, #tpu.memory_space<vmem>>
          %dma_wait3A_290 = arith.constant 0 : i32
          %dma_wait3A_291 = arith.constant 0 : i32
          %dma_wait3A_292 = tpu.memref_slice %arg2[%dma_wait3A_290, %dma_wait3A_291] : memref<200000x384xf32, #tpu.memory_space<hbm>> -> memref<200000x384xf32, #tpu.memory_space<hbm>>
          tpu.wait_indirect_dma semaphore(%run_scoped3A_264 : memref<!tpu.dma_semaphore, #tpu.memory_space<semaphore_mem>>) src(%dma_wait3A_292 : memref<200000x384xf32, #tpu.memory_space<hbm>>) dst(%dma_wait3A_282 : memref<128x384xf32, #tpu.memory_space<vmem>>)
          tpu.yield
        }) : () -> ()
        "tpu.trace_stop"() : () -> ()
        %ne3A_199 = arith.cmpi ne, %add3A_131, %add3A_149 : i32
        %or3A_200 = arith.constant false
        %or3A_201 = arith.ori %or3A_200, %ne3A_199 : i1
        %or3A_202 = arith.ori %or3A_201, %eq3A_130 : i1
        %convert_element_type3A_203 = arith.extui %or3A_202 : i1 to i32
        %cond3A_204 = arith.constant 0 : i32
        %cond3A_205 = arith.cmpi ne, %convert_element_type3A_203, %cond3A_204 : i32
        scf.if %cond3A_205 {
        } else {
        }
        %and3A_206 = arith.constant false
        %and3A_207 = arith.andi %or3A_202, %and3A_206 : i1
        %ne3A_208 = arith.cmpi ne, %add3A_131, %add3A_149 : i32
        %or3A_209 = arith.constant false
        %or3A_210 = arith.ori %or3A_209, %ne3A_208 : i1
        %or3A_211 = arith.constant false
        %or3A_212 = arith.ori %or3A_210, %or3A_211 : i1
        %or3A_213 = arith.ori %or3A_212, %eq3A_130 : i1
        %convert_element_type3A_214 = arith.extui %or3A_213 : i1 to i32
        %cond3A_215 = arith.constant 0 : i32
        %cond3A_216 = arith.cmpi ne, %convert_element_type3A_214, %cond3A_215 : i32
        scf.if %cond3A_216 {
          "tpu.trace_start"() <{level = 10 : i32, message = "ep_copy_out"}> : () -> ()
          %rem3A_264 = arith.constant 2 : i32
          %rem3A_265 = arith.remui %scan3A_124, %rem3A_264 : i32
          %mul3A_266 = arith.constant 128 : i32
          %mul3A_267 = arith.muli %mul3A_266, %add3A_131 : i32
          %dma_start3A_268 = arith.constant 0 : i32
          %dma_start3A_269 = arith.constant 0 : i32
          %dma_start3A_270 = tpu.memref_slice %run_scoped3A_8[%rem3A_265, %dma_start3A_268, %dma_start3A_269] : memref<2x128x384xf32, #tpu.memory_space<vmem>> -> memref<1x128x384xf32, #tpu.memory_space<vmem>>
          %dma_start3A_271 = tpu.memref_squeeze %dma_start3A_270 : memref<1x128x384xf32, #tpu.memory_space<vmem>> -> memref<128x384xf32, #tpu.memory_space<vmem>>
          %dma_start3A_272 = arith.constant 0 : i32
          %dma_start3A_273 = tpu.memref_slice %arg4[%mul3A_267, %dma_start3A_272] : memref<40960x384xf32, #tpu.memory_space<hbm>> -> memref<128x384xf32, #tpu.memory_space<hbm>>
          %dma_start3A_274 = tpu.memref_slice %run_scoped3A_9[%rem3A_265] : memref<2x!tpu.dma_semaphore, #tpu.memory_space<semaphore_mem>> -> memref<1x!tpu.dma_semaphore, #tpu.memory_space<semaphore_mem>>
          %dma_start3A_275 = tpu.memref_squeeze %dma_start3A_274 : memref<1x!tpu.dma_semaphore, #tpu.memory_space<semaphore_mem>> -> memref<!tpu.dma_semaphore, #tpu.memory_space<semaphore_mem>>
          %dma_start3A_276 = arith.constant 0 : i32
          %dma_start3A_277 = tpu.memref_slice %arg4[%mul3A_267, %dma_start3A_276] : memref<40960x384xf32, #tpu.memory_space<hbm>> -> memref<128x384xf32, #tpu.memory_space<hbm>>
          %dma_start3A_278 = arith.constant 0 : i32
          %dma_start3A_279 = arith.constant 0 : i32
          %dma_start3A_280 = tpu.memref_slice %run_scoped3A_8[%rem3A_265, %dma_start3A_278, %dma_start3A_279] : memref<2x128x384xf32, #tpu.memory_space<vmem>> -> memref<1x128x384xf32, #tpu.memory_space<vmem>>
          %dma_start3A_281 = tpu.memref_squeeze %dma_start3A_280 : memref<1x128x384xf32, #tpu.memory_space<vmem>> -> memref<128x384xf32, #tpu.memory_space<vmem>>
          tpu.enqueue_dma source(%dma_start3A_281 : memref<128x384xf32, #tpu.memory_space<vmem>>) target(%dma_start3A_277 : memref<128x384xf32, #tpu.memory_space<hbm>>) target_semaphore(%dma_start3A_275 : memref<!tpu.dma_semaphore, #tpu.memory_space<semaphore_mem>>)
          "tpu.trace_stop"() : () -> ()
        } else {
        }
        %and3A_217 = arith.constant true
        %and3A_218 = arith.andi %or3A_213, %and3A_217 : i1
        %add3A_219 = arith.constant 1 : i32
        %add3A_220 = arith.addi %scan3A_124, %add3A_219 : i32
        %select_n3A_221 = arith.select %and3A_218, %add3A_220, %scan3A_124 : i32
        %ne3A_222 = arith.cmpi ne, %add3A_131, %add3A_140 : i32
        %or3A_223 = arith.constant false
        %or3A_224 = arith.ori %or3A_223, %ne3A_222 : i1
        %not3A_225 = arith.constant true
        %not3A_226 = arith.xori %eq3A_128, %not3A_225 : i1
        %and3A_227 = arith.andi %or3A_224, %not3A_226 : i1
        %convert_element_type3A_228 = arith.extui %and3A_227 : i1 to i32
        %cond3A_229 = arith.constant 0 : i32
        %cond3A_230 = arith.cmpi ne, %convert_element_type3A_228, %cond3A_229 : i32
        scf.if %cond3A_230 {
        } else {
        }
        %and3A_231 = arith.constant false
        %and3A_232 = arith.andi %and3A_227, %and3A_231 : i1
        %ne3A_233 = arith.cmpi ne, %add3A_131, %add3A_140 : i32
        %or3A_234 = arith.constant false
        %or3A_235 = arith.ori %or3A_234, %ne3A_233 : i1
        %or3A_236 = arith.constant false
        %or3A_237 = arith.ori %or3A_235, %or3A_236 : i1
        %not3A_238 = arith.constant true
        %not3A_239 = arith.xori %eq3A_128, %not3A_238 : i1
        %and3A_240 = arith.andi %or3A_237, %not3A_239 : i1
        %convert_element_type3A_241 = arith.extui %and3A_240 : i1 to i32
        %cond3A_242 = arith.constant 0 : i32
        %cond3A_243 = arith.cmpi ne, %convert_element_type3A_241, %cond3A_242 : i32
        scf.if %cond3A_243 {
          "tpu.trace_start"() <{level = 10 : i32, message = "ep_wait_out"}> : () -> ()
          %rem3A_264 = arith.constant 2 : i32
          %rem3A_265 = arith.remui %scan3A_125, %rem3A_264 : i32
          %mul3A_266 = arith.constant 128 : i32
          %mul3A_267 = arith.muli %mul3A_266, %add3A_140 : i32
          %dma_wait3A_268 = arith.constant 0 : i32
          %dma_wait3A_269 = arith.constant 0 : i32
          %dma_wait3A_270 = tpu.memref_slice %run_scoped3A_8[%rem3A_265, %dma_wait3A_268, %dma_wait3A_269] : memref<2x128x384xf32, #tpu.memory_space<vmem>> -> memref<1x128x384xf32, #tpu.memory_space<vmem>>
          %dma_wait3A_271 = tpu.memref_squeeze %dma_wait3A_270 : memref<1x128x384xf32, #tpu.memory_space<vmem>> -> memref<128x384xf32, #tpu.memory_space<vmem>>
          %dma_wait3A_272 = arith.constant 0 : i32
          %dma_wait3A_273 = tpu.memref_slice %arg4[%mul3A_267, %dma_wait3A_272] : memref<40960x384xf32, #tpu.memory_space<hbm>> -> memref<128x384xf32, #tpu.memory_space<hbm>>
          %dma_wait3A_274 = tpu.memref_slice %run_scoped3A_9[%rem3A_265] : memref<2x!tpu.dma_semaphore, #tpu.memory_space<semaphore_mem>> -> memref<1x!tpu.dma_semaphore, #tpu.memory_space<semaphore_mem>>
          %dma_wait3A_275 = tpu.memref_squeeze %dma_wait3A_274 : memref<1x!tpu.dma_semaphore, #tpu.memory_space<semaphore_mem>> -> memref<!tpu.dma_semaphore, #tpu.memory_space<semaphore_mem>>
          %dma_wait3A_276 = arith.constant 0 : i32
          %dma_wait3A_277 = tpu.memref_slice %arg4[%mul3A_267, %dma_wait3A_276] : memref<40960x384xf32, #tpu.memory_space<hbm>> -> memref<128x384xf32, #tpu.memory_space<hbm>>
          %dma_wait3A_278 = arith.constant 0 : i32
          %dma_wait3A_279 = arith.constant 0 : i32
          %dma_wait3A_280 = tpu.memref_slice %run_scoped3A_8[%rem3A_265, %dma_wait3A_278, %dma_wait3A_279] : memref<2x128x384xf32, #tpu.memory_space<vmem>> -> memref<1x128x384xf32, #tpu.memory_space<vmem>>
          %dma_wait3A_281 = tpu.memref_squeeze %dma_wait3A_280 : memref<1x128x384xf32, #tpu.memory_space<vmem>> -> memref<128x384xf32, #tpu.memory_space<vmem>>
          tpu.wait_dma2 semaphore(%dma_wait3A_275 : memref<!tpu.dma_semaphore, #tpu.memory_space<semaphore_mem>>) src(%dma_wait3A_281 : memref<128x384xf32, #tpu.memory_space<vmem>>) dst(%dma_wait3A_277 : memref<128x384xf32, #tpu.memory_space<hbm>>)
          "tpu.trace_stop"() : () -> ()
        } else {
        }
        %and3A_244 = arith.constant true
        %and3A_245 = arith.andi %and3A_240, %and3A_244 : i1
        %add3A_246 = arith.constant 1 : i32
        %add3A_247 = arith.addi %scan3A_125, %add3A_246 : i32
        %select_n3A_248 = arith.select %and3A_245, %add3A_247, %scan3A_125 : i32
        %ne3A_249 = arith.cmpi ne, %add3A_131, %add3A_149 : i32
        %or3A_250 = arith.constant false
        %or3A_251 = arith.ori %or3A_250, %ne3A_249 : i1
        %or3A_252 = arith.ori %or3A_251, %eq3A_130 : i1
        %add3A_253 = arith.constant 1 : i32
        %add3A_254 = arith.addi %scan3A_123, %add3A_253 : i32
        %select_n3A_255 = arith.select %or3A_252, %add3A_254, %scan3A_123 : i32
        %add3A_256 = arith.constant 1 : i32
        %add3A_257 = arith.addi %scan3A_126, %add3A_256 : i32
        %select_n3A_258 = arith.constant true
        %select_n3A_259 = arith.select %select_n3A_258, %add3A_257, %scan3A_126 : i32
        %eq3A_260 = arith.constant 10 : i32
        %eq3A_261 = arith.cmpi eq, %select_n3A_259, %eq3A_260 : i32
        %select_n3A_262 = arith.constant 0 : i32
        %select_n3A_263 = arith.select %eq3A_261, %select_n3A_262, %select_n3A_259 : i32
        scf.yield %select_n3A_167, %select_n3A_255, %select_n3A_221, %select_n3A_248, %select_n3A_263 : i32, i32, i32, i32, i32
      }
      %scan3A_68 = arith.constant 10 : i32
      %sub3A = arith.constant 1 : i32
      %sub3A_69 = arith.subi %scan3A_67#4, %sub3A : i32
      %select_n3A_70 = arith.constant true
      %select_n3A_71 = arith.select %select_n3A_70, %sub3A_69, %scan3A_67#4 : i32
      %eq3A_72 = arith.constant -1 : i32
      %eq3A_73 = arith.cmpi eq, %select_n3A_71, %eq3A_72 : i32
      %select_n3A_74 = arith.constant 9 : i32
      %select_n3A_75 = arith.select %eq3A_73, %select_n3A_74, %select_n3A_71 : i32
      %add3A_76 = arith.addi %select_n3A_75, %mul3A_6 : i32
      %sub3A_77 = arith.constant 1 : i32
      %sub3A_78 = arith.subi %select_n3A_75, %sub3A_77 : i32
      %select_n3A_79 = arith.constant true
      %select_n3A_80 = arith.select %select_n3A_79, %sub3A_78, %select_n3A_75 : i32
      %eq3A_81 = arith.constant -1 : i32
      %eq3A_82 = arith.cmpi eq, %select_n3A_80, %eq3A_81 : i32
      %select_n3A_83 = arith.constant 9 : i32
      %select_n3A_84 = arith.select %eq3A_82, %select_n3A_83, %select_n3A_80 : i32
      %add3A_85 = arith.addi %select_n3A_84, %mul3A_6 : i32
      %add3A_86 = arith.constant 1 : i32
      %add3A_87 = arith.addi %select_n3A_75, %add3A_86 : i32
      %select_n3A_88 = arith.constant true
      %select_n3A_89 = arith.select %select_n3A_88, %add3A_87, %select_n3A_75 : i32
      %eq3A_90 = arith.constant 10 : i32
      %eq3A_91 = arith.cmpi eq, %select_n3A_89, %eq3A_90 : i32
      %select_n3A_92 = arith.constant 0 : i32
      %select_n3A_93 = arith.select %eq3A_91, %select_n3A_92, %select_n3A_89 : i32
      %add3A_94 = arith.addi %select_n3A_93, %mul3A_6 : i32
      %add3A_95 = arith.constant 1 : i32
      %add3A_96 = arith.addi %select_n3A_93, %add3A_95 : i32
      %select_n3A_97 = arith.constant true
      %select_n3A_98 = arith.select %select_n3A_97, %add3A_96, %select_n3A_93 : i32
      %eq3A_99 = arith.constant 10 : i32
      %eq3A_100 = arith.cmpi eq, %select_n3A_98, %eq3A_99 : i32
      %select_n3A_101 = arith.constant 0 : i32
      %select_n3A_102 = arith.select %eq3A_100, %select_n3A_101, %select_n3A_98 : i32
      %add3A_103 = arith.addi %select_n3A_102, %mul3A_6 : i32
      "tpu.trace_start"() <{level = 10 : i32, message = "ep_finalize"}> : () -> ()
      %rem3A_104 = arith.constant 2 : i32
      %rem3A_105 = arith.remui %scan3A_67#3, %rem3A_104 : i32
      %mul3A_106 = arith.constant 128 : i32
      %mul3A_107 = arith.muli %mul3A_106, %add3A_76 : i32
      %dma_wait3A = arith.constant 0 : i32
      %dma_wait3A_108 = arith.constant 0 : i32
      %dma_wait3A_109 = tpu.memref_slice %run_scoped3A_8[%rem3A_105, %dma_wait3A, %dma_wait3A_108] : memref<2x128x384xf32, #tpu.memory_space<vmem>> -> memref<1x128x384xf32, #tpu.memory_space<vmem>>
      %dma_wait3A_110 = tpu.memref_squeeze %dma_wait3A_109 : memref<1x128x384xf32, #tpu.memory_space<vmem>> -> memref<128x384xf32, #tpu.memory_space<vmem>>
      %dma_wait3A_111 = arith.constant 0 : i32
      %dma_wait3A_112 = tpu.memref_slice %arg4[%mul3A_107, %dma_wait3A_111] : memref<40960x384xf32, #tpu.memory_space<hbm>> -> memref<128x384xf32, #tpu.memory_space<hbm>>
      %dma_wait3A_113 = tpu.memref_slice %run_scoped3A_9[%rem3A_105] : memref<2x!tpu.dma_semaphore, #tpu.memory_space<semaphore_mem>> -> memref<1x!tpu.dma_semaphore, #tpu.memory_space<semaphore_mem>>
      %dma_wait3A_114 = tpu.memref_squeeze %dma_wait3A_113 : memref<1x!tpu.dma_semaphore, #tpu.memory_space<semaphore_mem>> -> memref<!tpu.dma_semaphore, #tpu.memory_space<semaphore_mem>>
      %dma_wait3A_115 = arith.constant 0 : i32
      %dma_wait3A_116 = tpu.memref_slice %arg4[%mul3A_107, %dma_wait3A_115] : memref<40960x384xf32, #tpu.memory_space<hbm>> -> memref<128x384xf32, #tpu.memory_space<hbm>>
      %dma_wait3A_117 = arith.constant 0 : i32
      %dma_wait3A_118 = arith.constant 0 : i32
      %dma_wait3A_119 = tpu.memref_slice %run_scoped3A_8[%rem3A_105, %dma_wait3A_117, %dma_wait3A_118] : memref<2x128x384xf32, #tpu.memory_space<vmem>> -> memref<1x128x384xf32, #tpu.memory_space<vmem>>
      %dma_wait3A_120 = tpu.memref_squeeze %dma_wait3A_119 : memref<1x128x384xf32, #tpu.memory_space<vmem>> -> memref<128x384xf32, #tpu.memory_space<vmem>>
      tpu.wait_dma2 semaphore(%dma_wait3A_114 : memref<!tpu.dma_semaphore, #tpu.memory_space<semaphore_mem>>) src(%dma_wait3A_120 : memref<128x384xf32, #tpu.memory_space<vmem>>) dst(%dma_wait3A_116 : memref<128x384xf32, #tpu.memory_space<hbm>>)
      "tpu.trace_stop"() : () -> ()
      tpu.yield
    }) : () -> ()
    return
  }
}

module attributes {stable_mosaic.version = 14 : i64} {
  func.func @_topk_body(%arg0: i32, %arg1: i32, %arg2: memref<768x4096xf32, #tpu.memory_space<vmem>>, %arg3: memref<1024x768xf32, #tpu.memory_space<vmem>>, %arg4: memref<8x4096xi32, #tpu.memory_space<vmem>>, %arg5: memref<8x4096xf32, #tpu.memory_space<vmem>>, %arg6: memref<8x4096xi32, #tpu.memory_space<vmem>>) attributes {dimension_semantics = [#tpu.dimension_semantics<arbitrary>, #tpu.dimension_semantics<arbitrary>], iteration_bounds = array<i64: 1, 98>, scalar_prefetch = 0 : i64, scratch_operands = 2 : i64, tpu.core_type = #tpu.core_type<tc>, window_params = [{transform_indices = @transform_0, window_bounds = array<i64: 768, 4096>}, {transform_indices = @transform_1, window_bounds = array<i64: 1024, 768>, window_kind = #tpu.element_window<[0, 0], [0, 0]>}, {transform_indices = @transform_2, window_bounds = array<i64: 8, 4096>}]} {
    %eq3A = arith.constant 0 : i32
    %eq3A_0 = arith.cmpi eq, %arg1, %eq3A : i32
    %convert_element_type3A = arith.extui %eq3A_0 : i1 to i32
    %cond3A = arith.constant 0 : i32
    %cond3A_1 = arith.cmpi ne, %convert_element_type3A, %cond3A : i32
    scf.if %cond3A_1 {
      %broadcast_in_dim3A_1181 = arith.constant 0xFF800000 : f32
      %broadcast_in_dim3A_1182 = vector.broadcast %broadcast_in_dim3A_1181 : f32 to vector<8x4096xf32>
      %swap3A_1183 = arith.constant 0 : index
      %swap3A_1184 = arith.constant 0 : index
      %swap3A_1185 = vector.load %arg5[%swap3A_1183, %swap3A_1184] : memref<8x4096xf32, #tpu.memory_space<vmem>>, vector<8x4096xf32>
      tpu.vector_store %arg5[%swap3A_1183, %swap3A_1184], %broadcast_in_dim3A_1182 {strides = array<i32>} : memref<8x4096xf32, #tpu.memory_space<vmem>>, vector<8x4096xf32>,
      %broadcast_in_dim3A_1186 = arith.constant 0 : i32
      %broadcast_in_dim3A_1187 = vector.broadcast %broadcast_in_dim3A_1186 : i32 to vector<8x4096xi32>
      %swap3A_1188 = arith.constant 0 : index
      %swap3A_1189 = arith.constant 0 : index
      %swap3A_1190 = vector.load %arg6[%swap3A_1188, %swap3A_1189] : memref<8x4096xi32, #tpu.memory_space<vmem>>, vector<8x4096xi32>
      tpu.vector_store %arg6[%swap3A_1188, %swap3A_1189], %broadcast_in_dim3A_1187 {strides = array<i32>} : memref<8x4096xi32, #tpu.memory_space<vmem>>, vector<8x4096xi32>,
    } else {
    }
    %mul3A = arith.constant 1024 : i32
    %mul3A_2 = arith.muli %arg1, %mul3A : i32
    %min3A = arith.constant 98976 : i32
    %min3A_3 = arith.minsi %mul3A_2, %min3A : i32
    %iota3A = tpu.iota {dimensions = array<i32: 0>} : vector<16x4096xi32>
    %get3A = arith.constant 0 : index
    %get3A_4 = arith.constant 0 : index
    %get3A_5 = vector.load %arg3[%get3A, %get3A_4] : memref<1024x768xf32, #tpu.memory_space<vmem>>, vector<128x768xf32>
    %get3A_6 = arith.constant 0 : index
    %get3A_7 = arith.constant 0 : index
    %get3A_8 = vector.load %arg2[%get3A_6, %get3A_7] : memref<768x4096xf32, #tpu.memory_space<vmem>>, vector<768x4096xf32>
    %dot_general3A = arith.constant dense<0.000000e+00> : vector<128x4096xf32>
    %dot_general3A_9 = tpu.matmul %get3A_5, %get3A_8, %dot_general3A {dimension_numbers = #tpu.dot_dimension_numbers<[1], [0], [0], [1], [0, 0, 1, 1], [], []>, transpose_lhs_hint = false} : vector<128x768xf32>, vector<768x4096xf32>, vector<128x4096xf32> -> vector<128x4096xf32>
    %reshape3A = vector.shape_cast %dot_general3A_9 : vector<128x4096xf32> to vector<8x16x4096xf32>
    %slice3A = vector.extract_strided_slice %reshape3A {offsets = [0, 0, 0], sizes = [1, 16, 4096], strides = [1, 1, 1]} : vector<8x16x4096xf32> to vector<1x16x4096xf32>
    %squeeze3A = vector.shape_cast %slice3A : vector<1x16x4096xf32> to vector<16x4096xf32>
    %broadcast_in_dim3A = arith.constant 0 : i32
    %broadcast_in_dim3A_10 = vector.broadcast %broadcast_in_dim3A : i32 to vector<16x4096xi32>
    %broadcast_in_dim3A_11 = arith.constant 0xFF800000 : f32
    %broadcast_in_dim3A_12 = vector.broadcast %broadcast_in_dim3A_11 : f32 to vector<16x4096xf32>
    %broadcast_in_dim3A_13 = arith.constant 0 : i32
    %broadcast_in_dim3A_14 = vector.broadcast %broadcast_in_dim3A_13 : i32 to vector<16x4096xi32>
    %slice3A_15 = vector.extract_strided_slice %reshape3A {offsets = [1, 0, 0], sizes = [1, 16, 4096], strides = [1, 1, 1]} : vector<8x16x4096xf32> to vector<1x16x4096xf32>
    %squeeze3A_16 = vector.shape_cast %slice3A_15 : vector<1x16x4096xf32> to vector<16x4096xf32>
    %gt3A = arith.cmpf ogt, %squeeze3A_16, %squeeze3A : vector<16x4096xf32>
    %gt3A_17 = arith.cmpf ogt, %squeeze3A_16, %broadcast_in_dim3A_12 : vector<16x4096xf32>
    %select_n3A = arith.select %gt3A_17, %squeeze3A_16, %broadcast_in_dim3A_12 : vector<16x4096xi1>, vector<16x4096xf32>
    %select_n3A_18 = arith.select %gt3A, %squeeze3A, %select_n3A : vector<16x4096xi1>, vector<16x4096xf32>
    %jit3A = arith.constant 1 : i32
    %broadcast_in_dim3A_19 = vector.broadcast %jit3A : i32 to vector<16x4096xi32>
    %select_n3A_20 = arith.select %gt3A_17, %broadcast_in_dim3A_19, %broadcast_in_dim3A_14 : vector<16x4096xi1>, vector<16x4096xi32>
    %select_n3A_21 = arith.select %gt3A, %broadcast_in_dim3A_10, %select_n3A_20 : vector<16x4096xi1>, vector<16x4096xi32>
    %select_n3A_22 = arith.select %gt3A, %squeeze3A_16, %squeeze3A : vector<16x4096xi1>, vector<16x4096xf32>
    %jit3A_23 = arith.constant 1 : i32
    %broadcast_in_dim3A_24 = vector.broadcast %jit3A_23 : i32 to vector<16x4096xi32>
    %select_n3A_25 = arith.select %gt3A, %broadcast_in_dim3A_24, %broadcast_in_dim3A_10 : vector<16x4096xi1>, vector<16x4096xi32>
    %slice3A_26 = vector.extract_strided_slice %reshape3A {offsets = [2, 0, 0], sizes = [1, 16, 4096], strides = [1, 1, 1]} : vector<8x16x4096xf32> to vector<1x16x4096xf32>
    %squeeze3A_27 = vector.shape_cast %slice3A_26 : vector<1x16x4096xf32> to vector<16x4096xf32>
    %gt3A_28 = arith.cmpf ogt, %squeeze3A_27, %select_n3A_22 : vector<16x4096xf32>
    %gt3A_29 = arith.cmpf ogt, %squeeze3A_27, %select_n3A_18 : vector<16x4096xf32>
    %select_n3A_30 = arith.select %gt3A_29, %squeeze3A_27, %select_n3A_18 : vector<16x4096xi1>, vector<16x4096xf32>
    %select_n3A_31 = arith.select %gt3A_28, %select_n3A_22, %select_n3A_30 : vector<16x4096xi1>, vector<16x4096xf32>
    %jit3A_32 = arith.constant 2 : i32
    %broadcast_in_dim3A_33 = vector.broadcast %jit3A_32 : i32 to vector<16x4096xi32>
    %select_n3A_34 = arith.select %gt3A_29, %broadcast_in_dim3A_33, %select_n3A_21 : vector<16x4096xi1>, vector<16x4096xi32>
    %select_n3A_35 = arith.select %gt3A_28, %select_n3A_25, %select_n3A_34 : vector<16x4096xi1>, vector<16x4096xi32>
    %select_n3A_36 = arith.select %gt3A_28, %squeeze3A_27, %select_n3A_22 : vector<16x4096xi1>, vector<16x4096xf32>
    %jit3A_37 = arith.constant 2 : i32
    %broadcast_in_dim3A_38 = vector.broadcast %jit3A_37 : i32 to vector<16x4096xi32>
    %select_n3A_39 = arith.select %gt3A_28, %broadcast_in_dim3A_38, %select_n3A_25 : vector<16x4096xi1>, vector<16x4096xi32>
    %slice3A_40 = vector.extract_strided_slice %reshape3A {offsets = [3, 0, 0], sizes = [1, 16, 4096], strides = [1, 1, 1]} : vector<8x16x4096xf32> to vector<1x16x4096xf32>
    %squeeze3A_41 = vector.shape_cast %slice3A_40 : vector<1x16x4096xf32> to vector<16x4096xf32>
    %gt3A_42 = arith.cmpf ogt, %squeeze3A_41, %select_n3A_36 : vector<16x4096xf32>
    %gt3A_43 = arith.cmpf ogt, %squeeze3A_41, %select_n3A_31 : vector<16x4096xf32>
    %select_n3A_44 = arith.select %gt3A_43, %squeeze3A_41, %select_n3A_31 : vector<16x4096xi1>, vector<16x4096xf32>
    %select_n3A_45 = arith.select %gt3A_42, %select_n3A_36, %select_n3A_44 : vector<16x4096xi1>, vector<16x4096xf32>
    %jit3A_46 = arith.constant 3 : i32
    %broadcast_in_dim3A_47 = vector.broadcast %jit3A_46 : i32 to vector<16x4096xi32>
    %select_n3A_48 = arith.select %gt3A_43, %broadcast_in_dim3A_47, %select_n3A_35 : vector<16x4096xi1>, vector<16x4096xi32>
    %select_n3A_49 = arith.select %gt3A_42, %select_n3A_39, %select_n3A_48 : vector<16x4096xi1>, vector<16x4096xi32>
    %select_n3A_50 = arith.select %gt3A_42, %squeeze3A_41, %select_n3A_36 : vector<16x4096xi1>, vector<16x4096xf32>
    %jit3A_51 = arith.constant 3 : i32
    %broadcast_in_dim3A_52 = vector.broadcast %jit3A_51 : i32 to vector<16x4096xi32>
    %select_n3A_53 = arith.select %gt3A_42, %broadcast_in_dim3A_52, %select_n3A_39 : vector<16x4096xi1>, vector<16x4096xi32>
    %slice3A_54 = vector.extract_strided_slice %reshape3A {offsets = [4, 0, 0], sizes = [1, 16, 4096], strides = [1, 1, 1]} : vector<8x16x4096xf32> to vector<1x16x4096xf32>
    %squeeze3A_55 = vector.shape_cast %slice3A_54 : vector<1x16x4096xf32> to vector<16x4096xf32>
    %gt3A_56 = arith.cmpf ogt, %squeeze3A_55, %select_n3A_50 : vector<16x4096xf32>
    %gt3A_57 = arith.cmpf ogt, %squeeze3A_55, %select_n3A_45 : vector<16x4096xf32>
    %select_n3A_58 = arith.select %gt3A_57, %squeeze3A_55, %select_n3A_45 : vector<16x4096xi1>, vector<16x4096xf32>
    %select_n3A_59 = arith.select %gt3A_56, %select_n3A_50, %select_n3A_58 : vector<16x4096xi1>, vector<16x4096xf32>
    %jit3A_60 = arith.constant 4 : i32
    %broadcast_in_dim3A_61 = vector.broadcast %jit3A_60 : i32 to vector<16x4096xi32>
    %select_n3A_62 = arith.select %gt3A_57, %broadcast_in_dim3A_61, %select_n3A_49 : vector<16x4096xi1>, vector<16x4096xi32>
    %select_n3A_63 = arith.select %gt3A_56, %select_n3A_53, %select_n3A_62 : vector<16x4096xi1>, vector<16x4096xi32>
    %select_n3A_64 = arith.select %gt3A_56, %squeeze3A_55, %select_n3A_50 : vector<16x4096xi1>, vector<16x4096xf32>
    %jit3A_65 = arith.constant 4 : i32
    %broadcast_in_dim3A_66 = vector.broadcast %jit3A_65 : i32 to vector<16x4096xi32>
    %select_n3A_67 = arith.select %gt3A_56, %broadcast_in_dim3A_66, %select_n3A_53 : vector<16x4096xi1>, vector<16x4096xi32>
    %slice3A_68 = vector.extract_strided_slice %reshape3A {offsets = [5, 0, 0], sizes = [1, 16, 4096], strides = [1, 1, 1]} : vector<8x16x4096xf32> to vector<1x16x4096xf32>
    %squeeze3A_69 = vector.shape_cast %slice3A_68 : vector<1x16x4096xf32> to vector<16x4096xf32>
    %gt3A_70 = arith.cmpf ogt, %squeeze3A_69, %select_n3A_64 : vector<16x4096xf32>
    %gt3A_71 = arith.cmpf ogt, %squeeze3A_69, %select_n3A_59 : vector<16x4096xf32>
    %select_n3A_72 = arith.select %gt3A_71, %squeeze3A_69, %select_n3A_59 : vector<16x4096xi1>, vector<16x4096xf32>
    %select_n3A_73 = arith.select %gt3A_70, %select_n3A_64, %select_n3A_72 : vector<16x4096xi1>, vector<16x4096xf32>
    %jit3A_74 = arith.constant 5 : i32
    %broadcast_in_dim3A_75 = vector.broadcast %jit3A_74 : i32 to vector<16x4096xi32>
    %select_n3A_76 = arith.select %gt3A_71, %broadcast_in_dim3A_75, %select_n3A_63 : vector<16x4096xi1>, vector<16x4096xi32>
    %select_n3A_77 = arith.select %gt3A_70, %select_n3A_67, %select_n3A_76 : vector<16x4096xi1>, vector<16x4096xi32>
    %select_n3A_78 = arith.select %gt3A_70, %squeeze3A_69, %select_n3A_64 : vector<16x4096xi1>, vector<16x4096xf32>
    %jit3A_79 = arith.constant 5 : i32
    %broadcast_in_dim3A_80 = vector.broadcast %jit3A_79 : i32 to vector<16x4096xi32>
    %select_n3A_81 = arith.select %gt3A_70, %broadcast_in_dim3A_80, %select_n3A_67 : vector<16x4096xi1>, vector<16x4096xi32>
    %slice3A_82 = vector.extract_strided_slice %reshape3A {offsets = [6, 0, 0], sizes = [1, 16, 4096], strides = [1, 1, 1]} : vector<8x16x4096xf32> to vector<1x16x4096xf32>
    %squeeze3A_83 = vector.shape_cast %slice3A_82 : vector<1x16x4096xf32> to vector<16x4096xf32>
    %gt3A_84 = arith.cmpf ogt, %squeeze3A_83, %select_n3A_78 : vector<16x4096xf32>
    %gt3A_85 = arith.cmpf ogt, %squeeze3A_83, %select_n3A_73 : vector<16x4096xf32>
    %select_n3A_86 = arith.select %gt3A_85, %squeeze3A_83, %select_n3A_73 : vector<16x4096xi1>, vector<16x4096xf32>
    %select_n3A_87 = arith.select %gt3A_84, %select_n3A_78, %select_n3A_86 : vector<16x4096xi1>, vector<16x4096xf32>
    %jit3A_88 = arith.constant 6 : i32
    %broadcast_in_dim3A_89 = vector.broadcast %jit3A_88 : i32 to vector<16x4096xi32>
    %select_n3A_90 = arith.select %gt3A_85, %broadcast_in_dim3A_89, %select_n3A_77 : vector<16x4096xi1>, vector<16x4096xi32>
    %select_n3A_91 = arith.select %gt3A_84, %select_n3A_81, %select_n3A_90 : vector<16x4096xi1>, vector<16x4096xi32>
    %select_n3A_92 = arith.select %gt3A_84, %squeeze3A_83, %select_n3A_78 : vector<16x4096xi1>, vector<16x4096xf32>
    %jit3A_93 = arith.constant 6 : i32
    %broadcast_in_dim3A_94 = vector.broadcast %jit3A_93 : i32 to vector<16x4096xi32>
    %select_n3A_95 = arith.select %gt3A_84, %broadcast_in_dim3A_94, %select_n3A_81 : vector<16x4096xi1>, vector<16x4096xi32>
    %slice3A_96 = vector.extract_strided_slice %reshape3A {offsets = [7, 0, 0], sizes = [1, 16, 4096], strides = [1, 1, 1]} : vector<8x16x4096xf32> to vector<1x16x4096xf32>
    %squeeze3A_97 = vector.shape_cast %slice3A_96 : vector<1x16x4096xf32> to vector<16x4096xf32>
    %gt3A_98 = arith.cmpf ogt, %squeeze3A_97, %select_n3A_92 : vector<16x4096xf32>
    %gt3A_99 = arith.cmpf ogt, %squeeze3A_97, %select_n3A_87 : vector<16x4096xf32>
    %select_n3A_100 = arith.select %gt3A_99, %squeeze3A_97, %select_n3A_87 : vector<16x4096xi1>, vector<16x4096xf32>
    %select_n3A_101 = arith.select %gt3A_98, %select_n3A_92, %select_n3A_100 : vector<16x4096xi1>, vector<16x4096xf32>
    %jit3A_102 = arith.constant 7 : i32
    %broadcast_in_dim3A_103 = vector.broadcast %jit3A_102 : i32 to vector<16x4096xi32>
    %select_n3A_104 = arith.select %gt3A_99, %broadcast_in_dim3A_103, %select_n3A_91 : vector<16x4096xi1>, vector<16x4096xi32>
    %select_n3A_105 = arith.select %gt3A_98, %select_n3A_95, %select_n3A_104 : vector<16x4096xi1>, vector<16x4096xi32>
    %select_n3A_106 = arith.select %gt3A_98, %squeeze3A_97, %select_n3A_92 : vector<16x4096xi1>, vector<16x4096xf32>
    %jit3A_107 = arith.constant 7 : i32
    %broadcast_in_dim3A_108 = vector.broadcast %jit3A_107 : i32 to vector<16x4096xi32>
    %select_n3A_109 = arith.select %gt3A_98, %broadcast_in_dim3A_108, %select_n3A_95 : vector<16x4096xi1>, vector<16x4096xi32>
    %add3A = arith.constant 0 : i32
    %add3A_110 = arith.addi %min3A_3, %add3A : i32
    %mul3A_111 = arith.constant 16 : i32
    %mul3A_112 = vector.broadcast %mul3A_111 : i32 to vector<16x4096xi32>
    %mul3A_113 = arith.muli %select_n3A_109, %mul3A_112 : vector<16x4096xi32>
    %add3A_114 = vector.broadcast %add3A_110 : i32 to vector<16x4096xi32>
    %add3A_115 = arith.addi %add3A_114, %mul3A_113 : vector<16x4096xi32>
    %add3A_116 = arith.addi %add3A_115, %iota3A : vector<16x4096xi32>
    %mul3A_117 = arith.constant 16 : i32
    %mul3A_118 = vector.broadcast %mul3A_117 : i32 to vector<16x4096xi32>
    %mul3A_119 = arith.muli %select_n3A_105, %mul3A_118 : vector<16x4096xi32>
    %add3A_120 = vector.broadcast %add3A_110 : i32 to vector<16x4096xi32>
    %add3A_121 = arith.addi %add3A_120, %mul3A_119 : vector<16x4096xi32>
    %add3A_122 = arith.addi %add3A_121, %iota3A : vector<16x4096xi32>
    %get3A_123 = arith.constant 128 : index
    %get3A_124 = arith.constant 0 : index
    %get3A_125 = vector.load %arg3[%get3A_123, %get3A_124] : memref<1024x768xf32, #tpu.memory_space<vmem>>, vector<128x768xf32>
    %get3A_126 = arith.constant 0 : index
    %get3A_127 = arith.constant 0 : index
    %get3A_128 = vector.load %arg2[%get3A_126, %get3A_127] : memref<768x4096xf32, #tpu.memory_space<vmem>>, vector<768x4096xf32>
    %dot_general3A_129 = arith.constant dense<0.000000e+00> : vector<128x4096xf32>
    %dot_general3A_130 = tpu.matmul %get3A_125, %get3A_128, %dot_general3A_129 {dimension_numbers = #tpu.dot_dimension_numbers<[1], [0], [0], [1], [0, 0, 1, 1], [], []>, transpose_lhs_hint = false} : vector<128x768xf32>, vector<768x4096xf32>, vector<128x4096xf32> -> vector<128x4096xf32>
    %reshape3A_131 = vector.shape_cast %dot_general3A_130 : vector<128x4096xf32> to vector<8x16x4096xf32>
    %slice3A_132 = vector.extract_strided_slice %reshape3A_131 {offsets = [0, 0, 0], sizes = [1, 16, 4096], strides = [1, 1, 1]} : vector<8x16x4096xf32> to vector<1x16x4096xf32>
    %squeeze3A_133 = vector.shape_cast %slice3A_132 : vector<1x16x4096xf32> to vector<16x4096xf32>
    %broadcast_in_dim3A_134 = arith.constant 0 : i32
    %broadcast_in_dim3A_135 = vector.broadcast %broadcast_in_dim3A_134 : i32 to vector<16x4096xi32>
    %broadcast_in_dim3A_136 = arith.constant 0xFF800000 : f32
    %broadcast_in_dim3A_137 = vector.broadcast %broadcast_in_dim3A_136 : f32 to vector<16x4096xf32>
    %broadcast_in_dim3A_138 = arith.constant 0 : i32
    %broadcast_in_dim3A_139 = vector.broadcast %broadcast_in_dim3A_138 : i32 to vector<16x4096xi32>
    %slice3A_140 = vector.extract_strided_slice %reshape3A_131 {offsets = [1, 0, 0], sizes = [1, 16, 4096], strides = [1, 1, 1]} : vector<8x16x4096xf32> to vector<1x16x4096xf32>
    %squeeze3A_141 = vector.shape_cast %slice3A_140 : vector<1x16x4096xf32> to vector<16x4096xf32>
    %gt3A_142 = arith.cmpf ogt, %squeeze3A_141, %squeeze3A_133 : vector<16x4096xf32>
    %gt3A_143 = arith.cmpf ogt, %squeeze3A_141, %broadcast_in_dim3A_137 : vector<16x4096xf32>
    %select_n3A_144 = arith.select %gt3A_143, %squeeze3A_141, %broadcast_in_dim3A_137 : vector<16x4096xi1>, vector<16x4096xf32>
    %select_n3A_145 = arith.select %gt3A_142, %squeeze3A_133, %select_n3A_144 : vector<16x4096xi1>, vector<16x4096xf32>
    %jit3A_146 = arith.constant 1 : i32
    %broadcast_in_dim3A_147 = vector.broadcast %jit3A_146 : i32 to vector<16x4096xi32>
    %select_n3A_148 = arith.select %gt3A_143, %broadcast_in_dim3A_147, %broadcast_in_dim3A_139 : vector<16x4096xi1>, vector<16x4096xi32>
    %select_n3A_149 = arith.select %gt3A_142, %broadcast_in_dim3A_135, %select_n3A_148 : vector<16x4096xi1>, vector<16x4096xi32>
    %select_n3A_150 = arith.select %gt3A_142, %squeeze3A_141, %squeeze3A_133 : vector<16x4096xi1>, vector<16x4096xf32>
    %jit3A_151 = arith.constant 1 : i32
    %broadcast_in_dim3A_152 = vector.broadcast %jit3A_151 : i32 to vector<16x4096xi32>
    %select_n3A_153 = arith.select %gt3A_142, %broadcast_in_dim3A_152, %broadcast_in_dim3A_135 : vector<16x4096xi1>, vector<16x4096xi32>
    %slice3A_154 = vector.extract_strided_slice %reshape3A_131 {offsets = [2, 0, 0], sizes = [1, 16, 4096], strides = [1, 1, 1]} : vector<8x16x4096xf32> to vector<1x16x4096xf32>
    %squeeze3A_155 = vector.shape_cast %slice3A_154 : vector<1x16x4096xf32> to vector<16x4096xf32>
    %gt3A_156 = arith.cmpf ogt, %squeeze3A_155, %select_n3A_150 : vector<16x4096xf32>
    %gt3A_157 = arith.cmpf ogt, %squeeze3A_155, %select_n3A_145 : vector<16x4096xf32>
    %select_n3A_158 = arith.select %gt3A_157, %squeeze3A_155, %select_n3A_145 : vector<16x4096xi1>, vector<16x4096xf32>
    %select_n3A_159 = arith.select %gt3A_156, %select_n3A_150, %select_n3A_158 : vector<16x4096xi1>, vector<16x4096xf32>
    %jit3A_160 = arith.constant 2 : i32
    %broadcast_in_dim3A_161 = vector.broadcast %jit3A_160 : i32 to vector<16x4096xi32>
    %select_n3A_162 = arith.select %gt3A_157, %broadcast_in_dim3A_161, %select_n3A_149 : vector<16x4096xi1>, vector<16x4096xi32>
    %select_n3A_163 = arith.select %gt3A_156, %select_n3A_153, %select_n3A_162 : vector<16x4096xi1>, vector<16x4096xi32>
    %select_n3A_164 = arith.select %gt3A_156, %squeeze3A_155, %select_n3A_150 : vector<16x4096xi1>, vector<16x4096xf32>
    %jit3A_165 = arith.constant 2 : i32
    %broadcast_in_dim3A_166 = vector.broadcast %jit3A_165 : i32 to vector<16x4096xi32>
    %select_n3A_167 = arith.select %gt3A_156, %broadcast_in_dim3A_166, %select_n3A_153 : vector<16x4096xi1>, vector<16x4096xi32>
    %slice3A_168 = vector.extract_strided_slice %reshape3A_131 {offsets = [3, 0, 0], sizes = [1, 16, 4096], strides = [1, 1, 1]} : vector<8x16x4096xf32> to vector<1x16x4096xf32>
    %squeeze3A_169 = vector.shape_cast %slice3A_168 : vector<1x16x4096xf32> to vector<16x4096xf32>
    %gt3A_170 = arith.cmpf ogt, %squeeze3A_169, %select_n3A_164 : vector<16x4096xf32>
    %gt3A_171 = arith.cmpf ogt, %squeeze3A_169, %select_n3A_159 : vector<16x4096xf32>
    %select_n3A_172 = arith.select %gt3A_171, %squeeze3A_169, %select_n3A_159 : vector<16x4096xi1>, vector<16x4096xf32>
    %select_n3A_173 = arith.select %gt3A_170, %select_n3A_164, %select_n3A_172 : vector<16x4096xi1>, vector<16x4096xf32>
    %jit3A_174 = arith.constant 3 : i32
    %broadcast_in_dim3A_175 = vector.broadcast %jit3A_174 : i32 to vector<16x4096xi32>
    %select_n3A_176 = arith.select %gt3A_171, %broadcast_in_dim3A_175, %select_n3A_163 : vector<16x4096xi1>, vector<16x4096xi32>
    %select_n3A_177 = arith.select %gt3A_170, %select_n3A_167, %select_n3A_176 : vector<16x4096xi1>, vector<16x4096xi32>
    %select_n3A_178 = arith.select %gt3A_170, %squeeze3A_169, %select_n3A_164 : vector<16x4096xi1>, vector<16x4096xf32>
    %jit3A_179 = arith.constant 3 : i32
    %broadcast_in_dim3A_180 = vector.broadcast %jit3A_179 : i32 to vector<16x4096xi32>
    %select_n3A_181 = arith.select %gt3A_170, %broadcast_in_dim3A_180, %select_n3A_167 : vector<16x4096xi1>, vector<16x4096xi32>
    %slice3A_182 = vector.extract_strided_slice %reshape3A_131 {offsets = [4, 0, 0], sizes = [1, 16, 4096], strides = [1, 1, 1]} : vector<8x16x4096xf32> to vector<1x16x4096xf32>
    %squeeze3A_183 = vector.shape_cast %slice3A_182 : vector<1x16x4096xf32> to vector<16x4096xf32>
    %gt3A_184 = arith.cmpf ogt, %squeeze3A_183, %select_n3A_178 : vector<16x4096xf32>
    %gt3A_185 = arith.cmpf ogt, %squeeze3A_183, %select_n3A_173 : vector<16x4096xf32>
    %select_n3A_186 = arith.select %gt3A_185, %squeeze3A_183, %select_n3A_173 : vector<16x4096xi1>, vector<16x4096xf32>
    %select_n3A_187 = arith.select %gt3A_184, %select_n3A_178, %select_n3A_186 : vector<16x4096xi1>, vector<16x4096xf32>
    %jit3A_188 = arith.constant 4 : i32
    %broadcast_in_dim3A_189 = vector.broadcast %jit3A_188 : i32 to vector<16x4096xi32>
    %select_n3A_190 = arith.select %gt3A_185, %broadcast_in_dim3A_189, %select_n3A_177 : vector<16x4096xi1>, vector<16x4096xi32>
    %select_n3A_191 = arith.select %gt3A_184, %select_n3A_181, %select_n3A_190 : vector<16x4096xi1>, vector<16x4096xi32>
    %select_n3A_192 = arith.select %gt3A_184, %squeeze3A_183, %select_n3A_178 : vector<16x4096xi1>, vector<16x4096xf32>
    %jit3A_193 = arith.constant 4 : i32
    %broadcast_in_dim3A_194 = vector.broadcast %jit3A_193 : i32 to vector<16x4096xi32>
    %select_n3A_195 = arith.select %gt3A_184, %broadcast_in_dim3A_194, %select_n3A_181 : vector<16x4096xi1>, vector<16x4096xi32>
    %slice3A_196 = vector.extract_strided_slice %reshape3A_131 {offsets = [5, 0, 0], sizes = [1, 16, 4096], strides = [1, 1, 1]} : vector<8x16x4096xf32> to vector<1x16x4096xf32>
    %squeeze3A_197 = vector.shape_cast %slice3A_196 : vector<1x16x4096xf32> to vector<16x4096xf32>
    %gt3A_198 = arith.cmpf ogt, %squeeze3A_197, %select_n3A_192 : vector<16x4096xf32>
    %gt3A_199 = arith.cmpf ogt, %squeeze3A_197, %select_n3A_187 : vector<16x4096xf32>
    %select_n3A_200 = arith.select %gt3A_199, %squeeze3A_197, %select_n3A_187 : vector<16x4096xi1>, vector<16x4096xf32>
    %select_n3A_201 = arith.select %gt3A_198, %select_n3A_192, %select_n3A_200 : vector<16x4096xi1>, vector<16x4096xf32>
    %jit3A_202 = arith.constant 5 : i32
    %broadcast_in_dim3A_203 = vector.broadcast %jit3A_202 : i32 to vector<16x4096xi32>
    %select_n3A_204 = arith.select %gt3A_199, %broadcast_in_dim3A_203, %select_n3A_191 : vector<16x4096xi1>, vector<16x4096xi32>
    %select_n3A_205 = arith.select %gt3A_198, %select_n3A_195, %select_n3A_204 : vector<16x4096xi1>, vector<16x4096xi32>
    %select_n3A_206 = arith.select %gt3A_198, %squeeze3A_197, %select_n3A_192 : vector<16x4096xi1>, vector<16x4096xf32>
    %jit3A_207 = arith.constant 5 : i32
    %broadcast_in_dim3A_208 = vector.broadcast %jit3A_207 : i32 to vector<16x4096xi32>
    %select_n3A_209 = arith.select %gt3A_198, %broadcast_in_dim3A_208, %select_n3A_195 : vector<16x4096xi1>, vector<16x4096xi32>
    %slice3A_210 = vector.extract_strided_slice %reshape3A_131 {offsets = [6, 0, 0], sizes = [1, 16, 4096], strides = [1, 1, 1]} : vector<8x16x4096xf32> to vector<1x16x4096xf32>
    %squeeze3A_211 = vector.shape_cast %slice3A_210 : vector<1x16x4096xf32> to vector<16x4096xf32>
    %gt3A_212 = arith.cmpf ogt, %squeeze3A_211, %select_n3A_206 : vector<16x4096xf32>
    %gt3A_213 = arith.cmpf ogt, %squeeze3A_211, %select_n3A_201 : vector<16x4096xf32>
    %select_n3A_214 = arith.select %gt3A_213, %squeeze3A_211, %select_n3A_201 : vector<16x4096xi1>, vector<16x4096xf32>
    %select_n3A_215 = arith.select %gt3A_212, %select_n3A_206, %select_n3A_214 : vector<16x4096xi1>, vector<16x4096xf32>
    %jit3A_216 = arith.constant 6 : i32
    %broadcast_in_dim3A_217 = vector.broadcast %jit3A_216 : i32 to vector<16x4096xi32>
    %select_n3A_218 = arith.select %gt3A_213, %broadcast_in_dim3A_217, %select_n3A_205 : vector<16x4096xi1>, vector<16x4096xi32>
    %select_n3A_219 = arith.select %gt3A_212, %select_n3A_209, %select_n3A_218 : vector<16x4096xi1>, vector<16x4096xi32>
    %select_n3A_220 = arith.select %gt3A_212, %squeeze3A_211, %select_n3A_206 : vector<16x4096xi1>, vector<16x4096xf32>
    %jit3A_221 = arith.constant 6 : i32
    %broadcast_in_dim3A_222 = vector.broadcast %jit3A_221 : i32 to vector<16x4096xi32>
    %select_n3A_223 = arith.select %gt3A_212, %broadcast_in_dim3A_222, %select_n3A_209 : vector<16x4096xi1>, vector<16x4096xi32>
    %slice3A_224 = vector.extract_strided_slice %reshape3A_131 {offsets = [7, 0, 0], sizes = [1, 16, 4096], strides = [1, 1, 1]} : vector<8x16x4096xf32> to vector<1x16x4096xf32>
    %squeeze3A_225 = vector.shape_cast %slice3A_224 : vector<1x16x4096xf32> to vector<16x4096xf32>
    %gt3A_226 = arith.cmpf ogt, %squeeze3A_225, %select_n3A_220 : vector<16x4096xf32>
    %gt3A_227 = arith.cmpf ogt, %squeeze3A_225, %select_n3A_215 : vector<16x4096xf32>
    %select_n3A_228 = arith.select %gt3A_227, %squeeze3A_225, %select_n3A_215 : vector<16x4096xi1>, vector<16x4096xf32>
    %select_n3A_229 = arith.select %gt3A_226, %select_n3A_220, %select_n3A_228 : vector<16x4096xi1>, vector<16x4096xf32>
    %jit3A_230 = arith.constant 7 : i32
    %broadcast_in_dim3A_231 = vector.broadcast %jit3A_230 : i32 to vector<16x4096xi32>
    %select_n3A_232 = arith.select %gt3A_227, %broadcast_in_dim3A_231, %select_n3A_219 : vector<16x4096xi1>, vector<16x4096xi32>
    %select_n3A_233 = arith.select %gt3A_226, %select_n3A_223, %select_n3A_232 : vector<16x4096xi1>, vector<16x4096xi32>
    %select_n3A_234 = arith.select %gt3A_226, %squeeze3A_225, %select_n3A_220 : vector<16x4096xi1>, vector<16x4096xf32>
    %jit3A_235 = arith.constant 7 : i32
    %broadcast_in_dim3A_236 = vector.broadcast %jit3A_235 : i32 to vector<16x4096xi32>
    %select_n3A_237 = arith.select %gt3A_226, %broadcast_in_dim3A_236, %select_n3A_223 : vector<16x4096xi1>, vector<16x4096xi32>
    %add3A_238 = arith.constant 128 : i32
    %add3A_239 = arith.addi %min3A_3, %add3A_238 : i32
    %mul3A_240 = arith.constant 16 : i32
    %mul3A_241 = vector.broadcast %mul3A_240 : i32 to vector<16x4096xi32>
    %mul3A_242 = arith.muli %select_n3A_237, %mul3A_241 : vector<16x4096xi32>
    %add3A_243 = vector.broadcast %add3A_239 : i32 to vector<16x4096xi32>
    %add3A_244 = arith.addi %add3A_243, %mul3A_242 : vector<16x4096xi32>
    %add3A_245 = arith.addi %add3A_244, %iota3A : vector<16x4096xi32>
    %mul3A_246 = arith.constant 16 : i32
    %mul3A_247 = vector.broadcast %mul3A_246 : i32 to vector<16x4096xi32>
    %mul3A_248 = arith.muli %select_n3A_233, %mul3A_247 : vector<16x4096xi32>
    %add3A_249 = vector.broadcast %add3A_239 : i32 to vector<16x4096xi32>
    %add3A_250 = arith.addi %add3A_249, %mul3A_248 : vector<16x4096xi32>
    %add3A_251 = arith.addi %add3A_250, %iota3A : vector<16x4096xi32>
    %get3A_252 = arith.constant 256 : index
    %get3A_253 = arith.constant 0 : index
    %get3A_254 = vector.load %arg3[%get3A_252, %get3A_253] : memref<1024x768xf32, #tpu.memory_space<vmem>>, vector<128x768xf32>
    %get3A_255 = arith.constant 0 : index
    %get3A_256 = arith.constant 0 : index
    %get3A_257 = vector.load %arg2[%get3A_255, %get3A_256] : memref<768x4096xf32, #tpu.memory_space<vmem>>, vector<768x4096xf32>
    %dot_general3A_258 = arith.constant dense<0.000000e+00> : vector<128x4096xf32>
    %dot_general3A_259 = tpu.matmul %get3A_254, %get3A_257, %dot_general3A_258 {dimension_numbers = #tpu.dot_dimension_numbers<[1], [0], [0], [1], [0, 0, 1, 1], [], []>, transpose_lhs_hint = false} : vector<128x768xf32>, vector<768x4096xf32>, vector<128x4096xf32> -> vector<128x4096xf32>
    %reshape3A_260 = vector.shape_cast %dot_general3A_259 : vector<128x4096xf32> to vector<8x16x4096xf32>
    %slice3A_261 = vector.extract_strided_slice %reshape3A_260 {offsets = [0, 0, 0], sizes = [1, 16, 4096], strides = [1, 1, 1]} : vector<8x16x4096xf32> to vector<1x16x4096xf32>
    %squeeze3A_262 = vector.shape_cast %slice3A_261 : vector<1x16x4096xf32> to vector<16x4096xf32>
    %broadcast_in_dim3A_263 = arith.constant 0 : i32
    %broadcast_in_dim3A_264 = vector.broadcast %broadcast_in_dim3A_263 : i32 to vector<16x4096xi32>
    %broadcast_in_dim3A_265 = arith.constant 0xFF800000 : f32
    %broadcast_in_dim3A_266 = vector.broadcast %broadcast_in_dim3A_265 : f32 to vector<16x4096xf32>
    %broadcast_in_dim3A_267 = arith.constant 0 : i32
    %broadcast_in_dim3A_268 = vector.broadcast %broadcast_in_dim3A_267 : i32 to vector<16x4096xi32>
    %slice3A_269 = vector.extract_strided_slice %reshape3A_260 {offsets = [1, 0, 0], sizes = [1, 16, 4096], strides = [1, 1, 1]} : vector<8x16x4096xf32> to vector<1x16x4096xf32>
    %squeeze3A_270 = vector.shape_cast %slice3A_269 : vector<1x16x4096xf32> to vector<16x4096xf32>
    %gt3A_271 = arith.cmpf ogt, %squeeze3A_270, %squeeze3A_262 : vector<16x4096xf32>
    %gt3A_272 = arith.cmpf ogt, %squeeze3A_270, %broadcast_in_dim3A_266 : vector<16x4096xf32>
    %select_n3A_273 = arith.select %gt3A_272, %squeeze3A_270, %broadcast_in_dim3A_266 : vector<16x4096xi1>, vector<16x4096xf32>
    %select_n3A_274 = arith.select %gt3A_271, %squeeze3A_262, %select_n3A_273 : vector<16x4096xi1>, vector<16x4096xf32>
    %jit3A_275 = arith.constant 1 : i32
    %broadcast_in_dim3A_276 = vector.broadcast %jit3A_275 : i32 to vector<16x4096xi32>
    %select_n3A_277 = arith.select %gt3A_272, %broadcast_in_dim3A_276, %broadcast_in_dim3A_268 : vector<16x4096xi1>, vector<16x4096xi32>
    %select_n3A_278 = arith.select %gt3A_271, %broadcast_in_dim3A_264, %select_n3A_277 : vector<16x4096xi1>, vector<16x4096xi32>
    %select_n3A_279 = arith.select %gt3A_271, %squeeze3A_270, %squeeze3A_262 : vector<16x4096xi1>, vector<16x4096xf32>
    %jit3A_280 = arith.constant 1 : i32
    %broadcast_in_dim3A_281 = vector.broadcast %jit3A_280 : i32 to vector<16x4096xi32>
    %select_n3A_282 = arith.select %gt3A_271, %broadcast_in_dim3A_281, %broadcast_in_dim3A_264 : vector<16x4096xi1>, vector<16x4096xi32>
    %slice3A_283 = vector.extract_strided_slice %reshape3A_260 {offsets = [2, 0, 0], sizes = [1, 16, 4096], strides = [1, 1, 1]} : vector<8x16x4096xf32> to vector<1x16x4096xf32>
    %squeeze3A_284 = vector.shape_cast %slice3A_283 : vector<1x16x4096xf32> to vector<16x4096xf32>
    %gt3A_285 = arith.cmpf ogt, %squeeze3A_284, %select_n3A_279 : vector<16x4096xf32>
    %gt3A_286 = arith.cmpf ogt, %squeeze3A_284, %select_n3A_274 : vector<16x4096xf32>
    %select_n3A_287 = arith.select %gt3A_286, %squeeze3A_284, %select_n3A_274 : vector<16x4096xi1>, vector<16x4096xf32>
    %select_n3A_288 = arith.select %gt3A_285, %select_n3A_279, %select_n3A_287 : vector<16x4096xi1>, vector<16x4096xf32>
    %jit3A_289 = arith.constant 2 : i32
    %broadcast_in_dim3A_290 = vector.broadcast %jit3A_289 : i32 to vector<16x4096xi32>
    %select_n3A_291 = arith.select %gt3A_286, %broadcast_in_dim3A_290, %select_n3A_278 : vector<16x4096xi1>, vector<16x4096xi32>
    %select_n3A_292 = arith.select %gt3A_285, %select_n3A_282, %select_n3A_291 : vector<16x4096xi1>, vector<16x4096xi32>
    %select_n3A_293 = arith.select %gt3A_285, %squeeze3A_284, %select_n3A_279 : vector<16x4096xi1>, vector<16x4096xf32>
    %jit3A_294 = arith.constant 2 : i32
    %broadcast_in_dim3A_295 = vector.broadcast %jit3A_294 : i32 to vector<16x4096xi32>
    %select_n3A_296 = arith.select %gt3A_285, %broadcast_in_dim3A_295, %select_n3A_282 : vector<16x4096xi1>, vector<16x4096xi32>
    %slice3A_297 = vector.extract_strided_slice %reshape3A_260 {offsets = [3, 0, 0], sizes = [1, 16, 4096], strides = [1, 1, 1]} : vector<8x16x4096xf32> to vector<1x16x4096xf32>
    %squeeze3A_298 = vector.shape_cast %slice3A_297 : vector<1x16x4096xf32> to vector<16x4096xf32>
    %gt3A_299 = arith.cmpf ogt, %squeeze3A_298, %select_n3A_293 : vector<16x4096xf32>
    %gt3A_300 = arith.cmpf ogt, %squeeze3A_298, %select_n3A_288 : vector<16x4096xf32>
    %select_n3A_301 = arith.select %gt3A_300, %squeeze3A_298, %select_n3A_288 : vector<16x4096xi1>, vector<16x4096xf32>
    %select_n3A_302 = arith.select %gt3A_299, %select_n3A_293, %select_n3A_301 : vector<16x4096xi1>, vector<16x4096xf32>
    %jit3A_303 = arith.constant 3 : i32
    %broadcast_in_dim3A_304 = vector.broadcast %jit3A_303 : i32 to vector<16x4096xi32>
    %select_n3A_305 = arith.select %gt3A_300, %broadcast_in_dim3A_304, %select_n3A_292 : vector<16x4096xi1>, vector<16x4096xi32>
    %select_n3A_306 = arith.select %gt3A_299, %select_n3A_296, %select_n3A_305 : vector<16x4096xi1>, vector<16x4096xi32>
    %select_n3A_307 = arith.select %gt3A_299, %squeeze3A_298, %select_n3A_293 : vector<16x4096xi1>, vector<16x4096xf32>
    %jit3A_308 = arith.constant 3 : i32
    %broadcast_in_dim3A_309 = vector.broadcast %jit3A_308 : i32 to vector<16x4096xi32>
    %select_n3A_310 = arith.select %gt3A_299, %broadcast_in_dim3A_309, %select_n3A_296 : vector<16x4096xi1>, vector<16x4096xi32>
    %slice3A_311 = vector.extract_strided_slice %reshape3A_260 {offsets = [4, 0, 0], sizes = [1, 16, 4096], strides = [1, 1, 1]} : vector<8x16x4096xf32> to vector<1x16x4096xf32>
    %squeeze3A_312 = vector.shape_cast %slice3A_311 : vector<1x16x4096xf32> to vector<16x4096xf32>
    %gt3A_313 = arith.cmpf ogt, %squeeze3A_312, %select_n3A_307 : vector<16x4096xf32>
    %gt3A_314 = arith.cmpf ogt, %squeeze3A_312, %select_n3A_302 : vector<16x4096xf32>
    %select_n3A_315 = arith.select %gt3A_314, %squeeze3A_312, %select_n3A_302 : vector<16x4096xi1>, vector<16x4096xf32>
    %select_n3A_316 = arith.select %gt3A_313, %select_n3A_307, %select_n3A_315 : vector<16x4096xi1>, vector<16x4096xf32>
    %jit3A_317 = arith.constant 4 : i32
    %broadcast_in_dim3A_318 = vector.broadcast %jit3A_317 : i32 to vector<16x4096xi32>
    %select_n3A_319 = arith.select %gt3A_314, %broadcast_in_dim3A_318, %select_n3A_306 : vector<16x4096xi1>, vector<16x4096xi32>
    %select_n3A_320 = arith.select %gt3A_313, %select_n3A_310, %select_n3A_319 : vector<16x4096xi1>, vector<16x4096xi32>
    %select_n3A_321 = arith.select %gt3A_313, %squeeze3A_312, %select_n3A_307 : vector<16x4096xi1>, vector<16x4096xf32>
    %jit3A_322 = arith.constant 4 : i32
    %broadcast_in_dim3A_323 = vector.broadcast %jit3A_322 : i32 to vector<16x4096xi32>
    %select_n3A_324 = arith.select %gt3A_313, %broadcast_in_dim3A_323, %select_n3A_310 : vector<16x4096xi1>, vector<16x4096xi32>
    %slice3A_325 = vector.extract_strided_slice %reshape3A_260 {offsets = [5, 0, 0], sizes = [1, 16, 4096], strides = [1, 1, 1]} : vector<8x16x4096xf32> to vector<1x16x4096xf32>
    %squeeze3A_326 = vector.shape_cast %slice3A_325 : vector<1x16x4096xf32> to vector<16x4096xf32>
    %gt3A_327 = arith.cmpf ogt, %squeeze3A_326, %select_n3A_321 : vector<16x4096xf32>
    %gt3A_328 = arith.cmpf ogt, %squeeze3A_326, %select_n3A_316 : vector<16x4096xf32>
    %select_n3A_329 = arith.select %gt3A_328, %squeeze3A_326, %select_n3A_316 : vector<16x4096xi1>, vector<16x4096xf32>
    %select_n3A_330 = arith.select %gt3A_327, %select_n3A_321, %select_n3A_329 : vector<16x4096xi1>, vector<16x4096xf32>
    %jit3A_331 = arith.constant 5 : i32
    %broadcast_in_dim3A_332 = vector.broadcast %jit3A_331 : i32 to vector<16x4096xi32>
    %select_n3A_333 = arith.select %gt3A_328, %broadcast_in_dim3A_332, %select_n3A_320 : vector<16x4096xi1>, vector<16x4096xi32>
    %select_n3A_334 = arith.select %gt3A_327, %select_n3A_324, %select_n3A_333 : vector<16x4096xi1>, vector<16x4096xi32>
    %select_n3A_335 = arith.select %gt3A_327, %squeeze3A_326, %select_n3A_321 : vector<16x4096xi1>, vector<16x4096xf32>
    %jit3A_336 = arith.constant 5 : i32
    %broadcast_in_dim3A_337 = vector.broadcast %jit3A_336 : i32 to vector<16x4096xi32>
    %select_n3A_338 = arith.select %gt3A_327, %broadcast_in_dim3A_337, %select_n3A_324 : vector<16x4096xi1>, vector<16x4096xi32>
    %slice3A_339 = vector.extract_strided_slice %reshape3A_260 {offsets = [6, 0, 0], sizes = [1, 16, 4096], strides = [1, 1, 1]} : vector<8x16x4096xf32> to vector<1x16x4096xf32>
    %squeeze3A_340 = vector.shape_cast %slice3A_339 : vector<1x16x4096xf32> to vector<16x4096xf32>
    %gt3A_341 = arith.cmpf ogt, %squeeze3A_340, %select_n3A_335 : vector<16x4096xf32>
    %gt3A_342 = arith.cmpf ogt, %squeeze3A_340, %select_n3A_330 : vector<16x4096xf32>
    %select_n3A_343 = arith.select %gt3A_342, %squeeze3A_340, %select_n3A_330 : vector<16x4096xi1>, vector<16x4096xf32>
    %select_n3A_344 = arith.select %gt3A_341, %select_n3A_335, %select_n3A_343 : vector<16x4096xi1>, vector<16x4096xf32>
    %jit3A_345 = arith.constant 6 : i32
    %broadcast_in_dim3A_346 = vector.broadcast %jit3A_345 : i32 to vector<16x4096xi32>
    %select_n3A_347 = arith.select %gt3A_342, %broadcast_in_dim3A_346, %select_n3A_334 : vector<16x4096xi1>, vector<16x4096xi32>
    %select_n3A_348 = arith.select %gt3A_341, %select_n3A_338, %select_n3A_347 : vector<16x4096xi1>, vector<16x4096xi32>
    %select_n3A_349 = arith.select %gt3A_341, %squeeze3A_340, %select_n3A_335 : vector<16x4096xi1>, vector<16x4096xf32>
    %jit3A_350 = arith.constant 6 : i32
    %broadcast_in_dim3A_351 = vector.broadcast %jit3A_350 : i32 to vector<16x4096xi32>
    %select_n3A_352 = arith.select %gt3A_341, %broadcast_in_dim3A_351, %select_n3A_338 : vector<16x4096xi1>, vector<16x4096xi32>
    %slice3A_353 = vector.extract_strided_slice %reshape3A_260 {offsets = [7, 0, 0], sizes = [1, 16, 4096], strides = [1, 1, 1]} : vector<8x16x4096xf32> to vector<1x16x4096xf32>
    %squeeze3A_354 = vector.shape_cast %slice3A_353 : vector<1x16x4096xf32> to vector<16x4096xf32>
    %gt3A_355 = arith.cmpf ogt, %squeeze3A_354, %select_n3A_349 : vector<16x4096xf32>
    %gt3A_356 = arith.cmpf ogt, %squeeze3A_354, %select_n3A_344 : vector<16x4096xf32>
    %select_n3A_357 = arith.select %gt3A_356, %squeeze3A_354, %select_n3A_344 : vector<16x4096xi1>, vector<16x4096xf32>
    %select_n3A_358 = arith.select %gt3A_355, %select_n3A_349, %select_n3A_357 : vector<16x4096xi1>, vector<16x4096xf32>
    %jit3A_359 = arith.constant 7 : i32
    %broadcast_in_dim3A_360 = vector.broadcast %jit3A_359 : i32 to vector<16x4096xi32>
    %select_n3A_361 = arith.select %gt3A_356, %broadcast_in_dim3A_360, %select_n3A_348 : vector<16x4096xi1>, vector<16x4096xi32>
    %select_n3A_362 = arith.select %gt3A_355, %select_n3A_352, %select_n3A_361 : vector<16x4096xi1>, vector<16x4096xi32>
    %select_n3A_363 = arith.select %gt3A_355, %squeeze3A_354, %select_n3A_349 : vector<16x4096xi1>, vector<16x4096xf32>
    %jit3A_364 = arith.constant 7 : i32
    %broadcast_in_dim3A_365 = vector.broadcast %jit3A_364 : i32 to vector<16x4096xi32>
    %select_n3A_366 = arith.select %gt3A_355, %broadcast_in_dim3A_365, %select_n3A_352 : vector<16x4096xi1>, vector<16x4096xi32>
    %add3A_367 = arith.constant 256 : i32
    %add3A_368 = arith.addi %min3A_3, %add3A_367 : i32
    %mul3A_369 = arith.constant 16 : i32
    %mul3A_370 = vector.broadcast %mul3A_369 : i32 to vector<16x4096xi32>
    %mul3A_371 = arith.muli %select_n3A_366, %mul3A_370 : vector<16x4096xi32>
    %add3A_372 = vector.broadcast %add3A_368 : i32 to vector<16x4096xi32>
    %add3A_373 = arith.addi %add3A_372, %mul3A_371 : vector<16x4096xi32>
    %add3A_374 = arith.addi %add3A_373, %iota3A : vector<16x4096xi32>
    %mul3A_375 = arith.constant 16 : i32
    %mul3A_376 = vector.broadcast %mul3A_375 : i32 to vector<16x4096xi32>
    %mul3A_377 = arith.muli %select_n3A_362, %mul3A_376 : vector<16x4096xi32>
    %add3A_378 = vector.broadcast %add3A_368 : i32 to vector<16x4096xi32>
    %add3A_379 = arith.addi %add3A_378, %mul3A_377 : vector<16x4096xi32>
    %add3A_380 = arith.addi %add3A_379, %iota3A : vector<16x4096xi32>
    %get3A_381 = arith.constant 384 : index
    %get3A_382 = arith.constant 0 : index
    %get3A_383 = vector.load %arg3[%get3A_381, %get3A_382] : memref<1024x768xf32, #tpu.memory_space<vmem>>, vector<128x768xf32>
    %get3A_384 = arith.constant 0 : index
    %get3A_385 = arith.constant 0 : index
    %get3A_386 = vector.load %arg2[%get3A_384, %get3A_385] : memref<768x4096xf32, #tpu.memory_space<vmem>>, vector<768x4096xf32>
    %dot_general3A_387 = arith.constant dense<0.000000e+00> : vector<128x4096xf32>
    %dot_general3A_388 = tpu.matmul %get3A_383, %get3A_386, %dot_general3A_387 {dimension_numbers = #tpu.dot_dimension_numbers<[1], [0], [0], [1], [0, 0, 1, 1], [], []>, transpose_lhs_hint = false} : vector<128x768xf32>, vector<768x4096xf32>, vector<128x4096xf32> -> vector<128x4096xf32>
    %reshape3A_389 = vector.shape_cast %dot_general3A_388 : vector<128x4096xf32> to vector<8x16x4096xf32>
    %slice3A_390 = vector.extract_strided_slice %reshape3A_389 {offsets = [0, 0, 0], sizes = [1, 16, 4096], strides = [1, 1, 1]} : vector<8x16x4096xf32> to vector<1x16x4096xf32>
    %squeeze3A_391 = vector.shape_cast %slice3A_390 : vector<1x16x4096xf32> to vector<16x4096xf32>
    %broadcast_in_dim3A_392 = arith.constant 0 : i32
    %broadcast_in_dim3A_393 = vector.broadcast %broadcast_in_dim3A_392 : i32 to vector<16x4096xi32>
    %broadcast_in_dim3A_394 = arith.constant 0xFF800000 : f32
    %broadcast_in_dim3A_395 = vector.broadcast %broadcast_in_dim3A_394 : f32 to vector<16x4096xf32>
    %broadcast_in_dim3A_396 = arith.constant 0 : i32
    %broadcast_in_dim3A_397 = vector.broadcast %broadcast_in_dim3A_396 : i32 to vector<16x4096xi32>
    %slice3A_398 = vector.extract_strided_slice %reshape3A_389 {offsets = [1, 0, 0], sizes = [1, 16, 4096], strides = [1, 1, 1]} : vector<8x16x4096xf32> to vector<1x16x4096xf32>
    %squeeze3A_399 = vector.shape_cast %slice3A_398 : vector<1x16x4096xf32> to vector<16x4096xf32>
    %gt3A_400 = arith.cmpf ogt, %squeeze3A_399, %squeeze3A_391 : vector<16x4096xf32>
    %gt3A_401 = arith.cmpf ogt, %squeeze3A_399, %broadcast_in_dim3A_395 : vector<16x4096xf32>
    %select_n3A_402 = arith.select %gt3A_401, %squeeze3A_399, %broadcast_in_dim3A_395 : vector<16x4096xi1>, vector<16x4096xf32>
    %select_n3A_403 = arith.select %gt3A_400, %squeeze3A_391, %select_n3A_402 : vector<16x4096xi1>, vector<16x4096xf32>
    %jit3A_404 = arith.constant 1 : i32
    %broadcast_in_dim3A_405 = vector.broadcast %jit3A_404 : i32 to vector<16x4096xi32>
    %select_n3A_406 = arith.select %gt3A_401, %broadcast_in_dim3A_405, %broadcast_in_dim3A_397 : vector<16x4096xi1>, vector<16x4096xi32>
    %select_n3A_407 = arith.select %gt3A_400, %broadcast_in_dim3A_393, %select_n3A_406 : vector<16x4096xi1>, vector<16x4096xi32>
    %select_n3A_408 = arith.select %gt3A_400, %squeeze3A_399, %squeeze3A_391 : vector<16x4096xi1>, vector<16x4096xf32>
    %jit3A_409 = arith.constant 1 : i32
    %broadcast_in_dim3A_410 = vector.broadcast %jit3A_409 : i32 to vector<16x4096xi32>
    %select_n3A_411 = arith.select %gt3A_400, %broadcast_in_dim3A_410, %broadcast_in_dim3A_393 : vector<16x4096xi1>, vector<16x4096xi32>
    %slice3A_412 = vector.extract_strided_slice %reshape3A_389 {offsets = [2, 0, 0], sizes = [1, 16, 4096], strides = [1, 1, 1]} : vector<8x16x4096xf32> to vector<1x16x4096xf32>
    %squeeze3A_413 = vector.shape_cast %slice3A_412 : vector<1x16x4096xf32> to vector<16x4096xf32>
    %gt3A_414 = arith.cmpf ogt, %squeeze3A_413, %select_n3A_408 : vector<16x4096xf32>
    %gt3A_415 = arith.cmpf ogt, %squeeze3A_413, %select_n3A_403 : vector<16x4096xf32>
    %select_n3A_416 = arith.select %gt3A_415, %squeeze3A_413, %select_n3A_403 : vector<16x4096xi1>, vector<16x4096xf32>
    %select_n3A_417 = arith.select %gt3A_414, %select_n3A_408, %select_n3A_416 : vector<16x4096xi1>, vector<16x4096xf32>
    %jit3A_418 = arith.constant 2 : i32
    %broadcast_in_dim3A_419 = vector.broadcast %jit3A_418 : i32 to vector<16x4096xi32>
    %select_n3A_420 = arith.select %gt3A_415, %broadcast_in_dim3A_419, %select_n3A_407 : vector<16x4096xi1>, vector<16x4096xi32>
    %select_n3A_421 = arith.select %gt3A_414, %select_n3A_411, %select_n3A_420 : vector<16x4096xi1>, vector<16x4096xi32>
    %select_n3A_422 = arith.select %gt3A_414, %squeeze3A_413, %select_n3A_408 : vector<16x4096xi1>, vector<16x4096xf32>
    %jit3A_423 = arith.constant 2 : i32
    %broadcast_in_dim3A_424 = vector.broadcast %jit3A_423 : i32 to vector<16x4096xi32>
    %select_n3A_425 = arith.select %gt3A_414, %broadcast_in_dim3A_424, %select_n3A_411 : vector<16x4096xi1>, vector<16x4096xi32>
    %slice3A_426 = vector.extract_strided_slice %reshape3A_389 {offsets = [3, 0, 0], sizes = [1, 16, 4096], strides = [1, 1, 1]} : vector<8x16x4096xf32> to vector<1x16x4096xf32>
    %squeeze3A_427 = vector.shape_cast %slice3A_426 : vector<1x16x4096xf32> to vector<16x4096xf32>
    %gt3A_428 = arith.cmpf ogt, %squeeze3A_427, %select_n3A_422 : vector<16x4096xf32>
    %gt3A_429 = arith.cmpf ogt, %squeeze3A_427, %select_n3A_417 : vector<16x4096xf32>
    %select_n3A_430 = arith.select %gt3A_429, %squeeze3A_427, %select_n3A_417 : vector<16x4096xi1>, vector<16x4096xf32>
    %select_n3A_431 = arith.select %gt3A_428, %select_n3A_422, %select_n3A_430 : vector<16x4096xi1>, vector<16x4096xf32>
    %jit3A_432 = arith.constant 3 : i32
    %broadcast_in_dim3A_433 = vector.broadcast %jit3A_432 : i32 to vector<16x4096xi32>
    %select_n3A_434 = arith.select %gt3A_429, %broadcast_in_dim3A_433, %select_n3A_421 : vector<16x4096xi1>, vector<16x4096xi32>
    %select_n3A_435 = arith.select %gt3A_428, %select_n3A_425, %select_n3A_434 : vector<16x4096xi1>, vector<16x4096xi32>
    %select_n3A_436 = arith.select %gt3A_428, %squeeze3A_427, %select_n3A_422 : vector<16x4096xi1>, vector<16x4096xf32>
    %jit3A_437 = arith.constant 3 : i32
    %broadcast_in_dim3A_438 = vector.broadcast %jit3A_437 : i32 to vector<16x4096xi32>
    %select_n3A_439 = arith.select %gt3A_428, %broadcast_in_dim3A_438, %select_n3A_425 : vector<16x4096xi1>, vector<16x4096xi32>
    %slice3A_440 = vector.extract_strided_slice %reshape3A_389 {offsets = [4, 0, 0], sizes = [1, 16, 4096], strides = [1, 1, 1]} : vector<8x16x4096xf32> to vector<1x16x4096xf32>
    %squeeze3A_441 = vector.shape_cast %slice3A_440 : vector<1x16x4096xf32> to vector<16x4096xf32>
    %gt3A_442 = arith.cmpf ogt, %squeeze3A_441, %select_n3A_436 : vector<16x4096xf32>
    %gt3A_443 = arith.cmpf ogt, %squeeze3A_441, %select_n3A_431 : vector<16x4096xf32>
    %select_n3A_444 = arith.select %gt3A_443, %squeeze3A_441, %select_n3A_431 : vector<16x4096xi1>, vector<16x4096xf32>
    %select_n3A_445 = arith.select %gt3A_442, %select_n3A_436, %select_n3A_444 : vector<16x4096xi1>, vector<16x4096xf32>
    %jit3A_446 = arith.constant 4 : i32
    %broadcast_in_dim3A_447 = vector.broadcast %jit3A_446 : i32 to vector<16x4096xi32>
    %select_n3A_448 = arith.select %gt3A_443, %broadcast_in_dim3A_447, %select_n3A_435 : vector<16x4096xi1>, vector<16x4096xi32>
    %select_n3A_449 = arith.select %gt3A_442, %select_n3A_439, %select_n3A_448 : vector<16x4096xi1>, vector<16x4096xi32>
    %select_n3A_450 = arith.select %gt3A_442, %squeeze3A_441, %select_n3A_436 : vector<16x4096xi1>, vector<16x4096xf32>
    %jit3A_451 = arith.constant 4 : i32
    %broadcast_in_dim3A_452 = vector.broadcast %jit3A_451 : i32 to vector<16x4096xi32>
    %select_n3A_453 = arith.select %gt3A_442, %broadcast_in_dim3A_452, %select_n3A_439 : vector<16x4096xi1>, vector<16x4096xi32>
    %slice3A_454 = vector.extract_strided_slice %reshape3A_389 {offsets = [5, 0, 0], sizes = [1, 16, 4096], strides = [1, 1, 1]} : vector<8x16x4096xf32> to vector<1x16x4096xf32>
    %squeeze3A_455 = vector.shape_cast %slice3A_454 : vector<1x16x4096xf32> to vector<16x4096xf32>
    %gt3A_456 = arith.cmpf ogt, %squeeze3A_455, %select_n3A_450 : vector<16x4096xf32>
    %gt3A_457 = arith.cmpf ogt, %squeeze3A_455, %select_n3A_445 : vector<16x4096xf32>
    %select_n3A_458 = arith.select %gt3A_457, %squeeze3A_455, %select_n3A_445 : vector<16x4096xi1>, vector<16x4096xf32>
    %select_n3A_459 = arith.select %gt3A_456, %select_n3A_450, %select_n3A_458 : vector<16x4096xi1>, vector<16x4096xf32>
    %jit3A_460 = arith.constant 5 : i32
    %broadcast_in_dim3A_461 = vector.broadcast %jit3A_460 : i32 to vector<16x4096xi32>
    %select_n3A_462 = arith.select %gt3A_457, %broadcast_in_dim3A_461, %select_n3A_449 : vector<16x4096xi1>, vector<16x4096xi32>
    %select_n3A_463 = arith.select %gt3A_456, %select_n3A_453, %select_n3A_462 : vector<16x4096xi1>, vector<16x4096xi32>
    %select_n3A_464 = arith.select %gt3A_456, %squeeze3A_455, %select_n3A_450 : vector<16x4096xi1>, vector<16x4096xf32>
    %jit3A_465 = arith.constant 5 : i32
    %broadcast_in_dim3A_466 = vector.broadcast %jit3A_465 : i32 to vector<16x4096xi32>
    %select_n3A_467 = arith.select %gt3A_456, %broadcast_in_dim3A_466, %select_n3A_453 : vector<16x4096xi1>, vector<16x4096xi32>
    %slice3A_468 = vector.extract_strided_slice %reshape3A_389 {offsets = [6, 0, 0], sizes = [1, 16, 4096], strides = [1, 1, 1]} : vector<8x16x4096xf32> to vector<1x16x4096xf32>
    %squeeze3A_469 = vector.shape_cast %slice3A_468 : vector<1x16x4096xf32> to vector<16x4096xf32>
    %gt3A_470 = arith.cmpf ogt, %squeeze3A_469, %select_n3A_464 : vector<16x4096xf32>
    %gt3A_471 = arith.cmpf ogt, %squeeze3A_469, %select_n3A_459 : vector<16x4096xf32>
    %select_n3A_472 = arith.select %gt3A_471, %squeeze3A_469, %select_n3A_459 : vector<16x4096xi1>, vector<16x4096xf32>
    %select_n3A_473 = arith.select %gt3A_470, %select_n3A_464, %select_n3A_472 : vector<16x4096xi1>, vector<16x4096xf32>
    %jit3A_474 = arith.constant 6 : i32
    %broadcast_in_dim3A_475 = vector.broadcast %jit3A_474 : i32 to vector<16x4096xi32>
    %select_n3A_476 = arith.select %gt3A_471, %broadcast_in_dim3A_475, %select_n3A_463 : vector<16x4096xi1>, vector<16x4096xi32>
    %select_n3A_477 = arith.select %gt3A_470, %select_n3A_467, %select_n3A_476 : vector<16x4096xi1>, vector<16x4096xi32>
    %select_n3A_478 = arith.select %gt3A_470, %squeeze3A_469, %select_n3A_464 : vector<16x4096xi1>, vector<16x4096xf32>
    %jit3A_479 = arith.constant 6 : i32
    %broadcast_in_dim3A_480 = vector.broadcast %jit3A_479 : i32 to vector<16x4096xi32>
    %select_n3A_481 = arith.select %gt3A_470, %broadcast_in_dim3A_480, %select_n3A_467 : vector<16x4096xi1>, vector<16x4096xi32>
    %slice3A_482 = vector.extract_strided_slice %reshape3A_389 {offsets = [7, 0, 0], sizes = [1, 16, 4096], strides = [1, 1, 1]} : vector<8x16x4096xf32> to vector<1x16x4096xf32>
    %squeeze3A_483 = vector.shape_cast %slice3A_482 : vector<1x16x4096xf32> to vector<16x4096xf32>
    %gt3A_484 = arith.cmpf ogt, %squeeze3A_483, %select_n3A_478 : vector<16x4096xf32>
    %gt3A_485 = arith.cmpf ogt, %squeeze3A_483, %select_n3A_473 : vector<16x4096xf32>
    %select_n3A_486 = arith.select %gt3A_485, %squeeze3A_483, %select_n3A_473 : vector<16x4096xi1>, vector<16x4096xf32>
    %select_n3A_487 = arith.select %gt3A_484, %select_n3A_478, %select_n3A_486 : vector<16x4096xi1>, vector<16x4096xf32>
    %jit3A_488 = arith.constant 7 : i32
    %broadcast_in_dim3A_489 = vector.broadcast %jit3A_488 : i32 to vector<16x4096xi32>
    %select_n3A_490 = arith.select %gt3A_485, %broadcast_in_dim3A_489, %select_n3A_477 : vector<16x4096xi1>, vector<16x4096xi32>
    %select_n3A_491 = arith.select %gt3A_484, %select_n3A_481, %select_n3A_490 : vector<16x4096xi1>, vector<16x4096xi32>
    %select_n3A_492 = arith.select %gt3A_484, %squeeze3A_483, %select_n3A_478 : vector<16x4096xi1>, vector<16x4096xf32>
    %jit3A_493 = arith.constant 7 : i32
    %broadcast_in_dim3A_494 = vector.broadcast %jit3A_493 : i32 to vector<16x4096xi32>
    %select_n3A_495 = arith.select %gt3A_484, %broadcast_in_dim3A_494, %select_n3A_481 : vector<16x4096xi1>, vector<16x4096xi32>
    %add3A_496 = arith.constant 384 : i32
    %add3A_497 = arith.addi %min3A_3, %add3A_496 : i32
    %mul3A_498 = arith.constant 16 : i32
    %mul3A_499 = vector.broadcast %mul3A_498 : i32 to vector<16x4096xi32>
    %mul3A_500 = arith.muli %select_n3A_495, %mul3A_499 : vector<16x4096xi32>
    %add3A_501 = vector.broadcast %add3A_497 : i32 to vector<16x4096xi32>
    %add3A_502 = arith.addi %add3A_501, %mul3A_500 : vector<16x4096xi32>
    %add3A_503 = arith.addi %add3A_502, %iota3A : vector<16x4096xi32>
    %mul3A_504 = arith.constant 16 : i32
    %mul3A_505 = vector.broadcast %mul3A_504 : i32 to vector<16x4096xi32>
    %mul3A_506 = arith.muli %select_n3A_491, %mul3A_505 : vector<16x4096xi32>
    %add3A_507 = vector.broadcast %add3A_497 : i32 to vector<16x4096xi32>
    %add3A_508 = arith.addi %add3A_507, %mul3A_506 : vector<16x4096xi32>
    %add3A_509 = arith.addi %add3A_508, %iota3A : vector<16x4096xi32>
    %get3A_510 = arith.constant 512 : index
    %get3A_511 = arith.constant 0 : index
    %get3A_512 = vector.load %arg3[%get3A_510, %get3A_511] : memref<1024x768xf32, #tpu.memory_space<vmem>>, vector<128x768xf32>
    %get3A_513 = arith.constant 0 : index
    %get3A_514 = arith.constant 0 : index
    %get3A_515 = vector.load %arg2[%get3A_513, %get3A_514] : memref<768x4096xf32, #tpu.memory_space<vmem>>, vector<768x4096xf32>
    %dot_general3A_516 = arith.constant dense<0.000000e+00> : vector<128x4096xf32>
    %dot_general3A_517 = tpu.matmul %get3A_512, %get3A_515, %dot_general3A_516 {dimension_numbers = #tpu.dot_dimension_numbers<[1], [0], [0], [1], [0, 0, 1, 1], [], []>, transpose_lhs_hint = false} : vector<128x768xf32>, vector<768x4096xf32>, vector<128x4096xf32> -> vector<128x4096xf32>
    %reshape3A_518 = vector.shape_cast %dot_general3A_517 : vector<128x4096xf32> to vector<8x16x4096xf32>
    %slice3A_519 = vector.extract_strided_slice %reshape3A_518 {offsets = [0, 0, 0], sizes = [1, 16, 4096], strides = [1, 1, 1]} : vector<8x16x4096xf32> to vector<1x16x4096xf32>
    %squeeze3A_520 = vector.shape_cast %slice3A_519 : vector<1x16x4096xf32> to vector<16x4096xf32>
    %broadcast_in_dim3A_521 = arith.constant 0 : i32
    %broadcast_in_dim3A_522 = vector.broadcast %broadcast_in_dim3A_521 : i32 to vector<16x4096xi32>
    %broadcast_in_dim3A_523 = arith.constant 0xFF800000 : f32
    %broadcast_in_dim3A_524 = vector.broadcast %broadcast_in_dim3A_523 : f32 to vector<16x4096xf32>
    %broadcast_in_dim3A_525 = arith.constant 0 : i32
    %broadcast_in_dim3A_526 = vector.broadcast %broadcast_in_dim3A_525 : i32 to vector<16x4096xi32>
    %slice3A_527 = vector.extract_strided_slice %reshape3A_518 {offsets = [1, 0, 0], sizes = [1, 16, 4096], strides = [1, 1, 1]} : vector<8x16x4096xf32> to vector<1x16x4096xf32>
    %squeeze3A_528 = vector.shape_cast %slice3A_527 : vector<1x16x4096xf32> to vector<16x4096xf32>
    %gt3A_529 = arith.cmpf ogt, %squeeze3A_528, %squeeze3A_520 : vector<16x4096xf32>
    %gt3A_530 = arith.cmpf ogt, %squeeze3A_528, %broadcast_in_dim3A_524 : vector<16x4096xf32>
    %select_n3A_531 = arith.select %gt3A_530, %squeeze3A_528, %broadcast_in_dim3A_524 : vector<16x4096xi1>, vector<16x4096xf32>
    %select_n3A_532 = arith.select %gt3A_529, %squeeze3A_520, %select_n3A_531 : vector<16x4096xi1>, vector<16x4096xf32>
    %jit3A_533 = arith.constant 1 : i32
    %broadcast_in_dim3A_534 = vector.broadcast %jit3A_533 : i32 to vector<16x4096xi32>
    %select_n3A_535 = arith.select %gt3A_530, %broadcast_in_dim3A_534, %broadcast_in_dim3A_526 : vector<16x4096xi1>, vector<16x4096xi32>
    %select_n3A_536 = arith.select %gt3A_529, %broadcast_in_dim3A_522, %select_n3A_535 : vector<16x4096xi1>, vector<16x4096xi32>
    %select_n3A_537 = arith.select %gt3A_529, %squeeze3A_528, %squeeze3A_520 : vector<16x4096xi1>, vector<16x4096xf32>
    %jit3A_538 = arith.constant 1 : i32
    %broadcast_in_dim3A_539 = vector.broadcast %jit3A_538 : i32 to vector<16x4096xi32>
    %select_n3A_540 = arith.select %gt3A_529, %broadcast_in_dim3A_539, %broadcast_in_dim3A_522 : vector<16x4096xi1>, vector<16x4096xi32>
    %slice3A_541 = vector.extract_strided_slice %reshape3A_518 {offsets = [2, 0, 0], sizes = [1, 16, 4096], strides = [1, 1, 1]} : vector<8x16x4096xf32> to vector<1x16x4096xf32>
    %squeeze3A_542 = vector.shape_cast %slice3A_541 : vector<1x16x4096xf32> to vector<16x4096xf32>
    %gt3A_543 = arith.cmpf ogt, %squeeze3A_542, %select_n3A_537 : vector<16x4096xf32>
    %gt3A_544 = arith.cmpf ogt, %squeeze3A_542, %select_n3A_532 : vector<16x4096xf32>
    %select_n3A_545 = arith.select %gt3A_544, %squeeze3A_542, %select_n3A_532 : vector<16x4096xi1>, vector<16x4096xf32>
    %select_n3A_546 = arith.select %gt3A_543, %select_n3A_537, %select_n3A_545 : vector<16x4096xi1>, vector<16x4096xf32>
    %jit3A_547 = arith.constant 2 : i32
    %broadcast_in_dim3A_548 = vector.broadcast %jit3A_547 : i32 to vector<16x4096xi32>
    %select_n3A_549 = arith.select %gt3A_544, %broadcast_in_dim3A_548, %select_n3A_536 : vector<16x4096xi1>, vector<16x4096xi32>
    %select_n3A_550 = arith.select %gt3A_543, %select_n3A_540, %select_n3A_549 : vector<16x4096xi1>, vector<16x4096xi32>
    %select_n3A_551 = arith.select %gt3A_543, %squeeze3A_542, %select_n3A_537 : vector<16x4096xi1>, vector<16x4096xf32>
    %jit3A_552 = arith.constant 2 : i32
    %broadcast_in_dim3A_553 = vector.broadcast %jit3A_552 : i32 to vector<16x4096xi32>
    %select_n3A_554 = arith.select %gt3A_543, %broadcast_in_dim3A_553, %select_n3A_540 : vector<16x4096xi1>, vector<16x4096xi32>
    %slice3A_555 = vector.extract_strided_slice %reshape3A_518 {offsets = [3, 0, 0], sizes = [1, 16, 4096], strides = [1, 1, 1]} : vector<8x16x4096xf32> to vector<1x16x4096xf32>
    %squeeze3A_556 = vector.shape_cast %slice3A_555 : vector<1x16x4096xf32> to vector<16x4096xf32>
    %gt3A_557 = arith.cmpf ogt, %squeeze3A_556, %select_n3A_551 : vector<16x4096xf32>
    %gt3A_558 = arith.cmpf ogt, %squeeze3A_556, %select_n3A_546 : vector<16x4096xf32>
    %select_n3A_559 = arith.select %gt3A_558, %squeeze3A_556, %select_n3A_546 : vector<16x4096xi1>, vector<16x4096xf32>
    %select_n3A_560 = arith.select %gt3A_557, %select_n3A_551, %select_n3A_559 : vector<16x4096xi1>, vector<16x4096xf32>
    %jit3A_561 = arith.constant 3 : i32
    %broadcast_in_dim3A_562 = vector.broadcast %jit3A_561 : i32 to vector<16x4096xi32>
    %select_n3A_563 = arith.select %gt3A_558, %broadcast_in_dim3A_562, %select_n3A_550 : vector<16x4096xi1>, vector<16x4096xi32>
    %select_n3A_564 = arith.select %gt3A_557, %select_n3A_554, %select_n3A_563 : vector<16x4096xi1>, vector<16x4096xi32>
    %select_n3A_565 = arith.select %gt3A_557, %squeeze3A_556, %select_n3A_551 : vector<16x4096xi1>, vector<16x4096xf32>
    %jit3A_566 = arith.constant 3 : i32
    %broadcast_in_dim3A_567 = vector.broadcast %jit3A_566 : i32 to vector<16x4096xi32>
    %select_n3A_568 = arith.select %gt3A_557, %broadcast_in_dim3A_567, %select_n3A_554 : vector<16x4096xi1>, vector<16x4096xi32>
    %slice3A_569 = vector.extract_strided_slice %reshape3A_518 {offsets = [4, 0, 0], sizes = [1, 16, 4096], strides = [1, 1, 1]} : vector<8x16x4096xf32> to vector<1x16x4096xf32>
    %squeeze3A_570 = vector.shape_cast %slice3A_569 : vector<1x16x4096xf32> to vector<16x4096xf32>
    %gt3A_571 = arith.cmpf ogt, %squeeze3A_570, %select_n3A_565 : vector<16x4096xf32>
    %gt3A_572 = arith.cmpf ogt, %squeeze3A_570, %select_n3A_560 : vector<16x4096xf32>
    %select_n3A_573 = arith.select %gt3A_572, %squeeze3A_570, %select_n3A_560 : vector<16x4096xi1>, vector<16x4096xf32>
    %select_n3A_574 = arith.select %gt3A_571, %select_n3A_565, %select_n3A_573 : vector<16x4096xi1>, vector<16x4096xf32>
    %jit3A_575 = arith.constant 4 : i32
    %broadcast_in_dim3A_576 = vector.broadcast %jit3A_575 : i32 to vector<16x4096xi32>
    %select_n3A_577 = arith.select %gt3A_572, %broadcast_in_dim3A_576, %select_n3A_564 : vector<16x4096xi1>, vector<16x4096xi32>
    %select_n3A_578 = arith.select %gt3A_571, %select_n3A_568, %select_n3A_577 : vector<16x4096xi1>, vector<16x4096xi32>
    %select_n3A_579 = arith.select %gt3A_571, %squeeze3A_570, %select_n3A_565 : vector<16x4096xi1>, vector<16x4096xf32>
    %jit3A_580 = arith.constant 4 : i32
    %broadcast_in_dim3A_581 = vector.broadcast %jit3A_580 : i32 to vector<16x4096xi32>
    %select_n3A_582 = arith.select %gt3A_571, %broadcast_in_dim3A_581, %select_n3A_568 : vector<16x4096xi1>, vector<16x4096xi32>
    %slice3A_583 = vector.extract_strided_slice %reshape3A_518 {offsets = [5, 0, 0], sizes = [1, 16, 4096], strides = [1, 1, 1]} : vector<8x16x4096xf32> to vector<1x16x4096xf32>
    %squeeze3A_584 = vector.shape_cast %slice3A_583 : vector<1x16x4096xf32> to vector<16x4096xf32>
    %gt3A_585 = arith.cmpf ogt, %squeeze3A_584, %select_n3A_579 : vector<16x4096xf32>
    %gt3A_586 = arith.cmpf ogt, %squeeze3A_584, %select_n3A_574 : vector<16x4096xf32>
    %select_n3A_587 = arith.select %gt3A_586, %squeeze3A_584, %select_n3A_574 : vector<16x4096xi1>, vector<16x4096xf32>
    %select_n3A_588 = arith.select %gt3A_585, %select_n3A_579, %select_n3A_587 : vector<16x4096xi1>, vector<16x4096xf32>
    %jit3A_589 = arith.constant 5 : i32
    %broadcast_in_dim3A_590 = vector.broadcast %jit3A_589 : i32 to vector<16x4096xi32>
    %select_n3A_591 = arith.select %gt3A_586, %broadcast_in_dim3A_590, %select_n3A_578 : vector<16x4096xi1>, vector<16x4096xi32>
    %select_n3A_592 = arith.select %gt3A_585, %select_n3A_582, %select_n3A_591 : vector<16x4096xi1>, vector<16x4096xi32>
    %select_n3A_593 = arith.select %gt3A_585, %squeeze3A_584, %select_n3A_579 : vector<16x4096xi1>, vector<16x4096xf32>
    %jit3A_594 = arith.constant 5 : i32
    %broadcast_in_dim3A_595 = vector.broadcast %jit3A_594 : i32 to vector<16x4096xi32>
    %select_n3A_596 = arith.select %gt3A_585, %broadcast_in_dim3A_595, %select_n3A_582 : vector<16x4096xi1>, vector<16x4096xi32>
    %slice3A_597 = vector.extract_strided_slice %reshape3A_518 {offsets = [6, 0, 0], sizes = [1, 16, 4096], strides = [1, 1, 1]} : vector<8x16x4096xf32> to vector<1x16x4096xf32>
    %squeeze3A_598 = vector.shape_cast %slice3A_597 : vector<1x16x4096xf32> to vector<16x4096xf32>
    %gt3A_599 = arith.cmpf ogt, %squeeze3A_598, %select_n3A_593 : vector<16x4096xf32>
    %gt3A_600 = arith.cmpf ogt, %squeeze3A_598, %select_n3A_588 : vector<16x4096xf32>
    %select_n3A_601 = arith.select %gt3A_600, %squeeze3A_598, %select_n3A_588 : vector<16x4096xi1>, vector<16x4096xf32>
    %select_n3A_602 = arith.select %gt3A_599, %select_n3A_593, %select_n3A_601 : vector<16x4096xi1>, vector<16x4096xf32>
    %jit3A_603 = arith.constant 6 : i32
    %broadcast_in_dim3A_604 = vector.broadcast %jit3A_603 : i32 to vector<16x4096xi32>
    %select_n3A_605 = arith.select %gt3A_600, %broadcast_in_dim3A_604, %select_n3A_592 : vector<16x4096xi1>, vector<16x4096xi32>
    %select_n3A_606 = arith.select %gt3A_599, %select_n3A_596, %select_n3A_605 : vector<16x4096xi1>, vector<16x4096xi32>
    %select_n3A_607 = arith.select %gt3A_599, %squeeze3A_598, %select_n3A_593 : vector<16x4096xi1>, vector<16x4096xf32>
    %jit3A_608 = arith.constant 6 : i32
    %broadcast_in_dim3A_609 = vector.broadcast %jit3A_608 : i32 to vector<16x4096xi32>
    %select_n3A_610 = arith.select %gt3A_599, %broadcast_in_dim3A_609, %select_n3A_596 : vector<16x4096xi1>, vector<16x4096xi32>
    %slice3A_611 = vector.extract_strided_slice %reshape3A_518 {offsets = [7, 0, 0], sizes = [1, 16, 4096], strides = [1, 1, 1]} : vector<8x16x4096xf32> to vector<1x16x4096xf32>
    %squeeze3A_612 = vector.shape_cast %slice3A_611 : vector<1x16x4096xf32> to vector<16x4096xf32>
    %gt3A_613 = arith.cmpf ogt, %squeeze3A_612, %select_n3A_607 : vector<16x4096xf32>
    %gt3A_614 = arith.cmpf ogt, %squeeze3A_612, %select_n3A_602 : vector<16x4096xf32>
    %select_n3A_615 = arith.select %gt3A_614, %squeeze3A_612, %select_n3A_602 : vector<16x4096xi1>, vector<16x4096xf32>
    %select_n3A_616 = arith.select %gt3A_613, %select_n3A_607, %select_n3A_615 : vector<16x4096xi1>, vector<16x4096xf32>
    %jit3A_617 = arith.constant 7 : i32
    %broadcast_in_dim3A_618 = vector.broadcast %jit3A_617 : i32 to vector<16x4096xi32>
    %select_n3A_619 = arith.select %gt3A_614, %broadcast_in_dim3A_618, %select_n3A_606 : vector<16x4096xi1>, vector<16x4096xi32>
    %select_n3A_620 = arith.select %gt3A_613, %select_n3A_610, %select_n3A_619 : vector<16x4096xi1>, vector<16x4096xi32>
    %select_n3A_621 = arith.select %gt3A_613, %squeeze3A_612, %select_n3A_607 : vector<16x4096xi1>, vector<16x4096xf32>
    %jit3A_622 = arith.constant 7 : i32
    %broadcast_in_dim3A_623 = vector.broadcast %jit3A_622 : i32 to vector<16x4096xi32>
    %select_n3A_624 = arith.select %gt3A_613, %broadcast_in_dim3A_623, %select_n3A_610 : vector<16x4096xi1>, vector<16x4096xi32>
    %add3A_625 = arith.constant 512 : i32
    %add3A_626 = arith.addi %min3A_3, %add3A_625 : i32
    %mul3A_627 = arith.constant 16 : i32
    %mul3A_628 = vector.broadcast %mul3A_627 : i32 to vector<16x4096xi32>
    %mul3A_629 = arith.muli %select_n3A_624, %mul3A_628 : vector<16x4096xi32>
    %add3A_630 = vector.broadcast %add3A_626 : i32 to vector<16x4096xi32>
    %add3A_631 = arith.addi %add3A_630, %mul3A_629 : vector<16x4096xi32>
    %add3A_632 = arith.addi %add3A_631, %iota3A : vector<16x4096xi32>
    %mul3A_633 = arith.constant 16 : i32
    %mul3A_634 = vector.broadcast %mul3A_633 : i32 to vector<16x4096xi32>
    %mul3A_635 = arith.muli %select_n3A_620, %mul3A_634 : vector<16x4096xi32>
    %add3A_636 = vector.broadcast %add3A_626 : i32 to vector<16x4096xi32>
    %add3A_637 = arith.addi %add3A_636, %mul3A_635 : vector<16x4096xi32>
    %add3A_638 = arith.addi %add3A_637, %iota3A : vector<16x4096xi32>
    %get3A_639 = arith.constant 640 : index
    %get3A_640 = arith.constant 0 : index
    %get3A_641 = vector.load %arg3[%get3A_639, %get3A_640] : memref<1024x768xf32, #tpu.memory_space<vmem>>, vector<128x768xf32>
    %get3A_642 = arith.constant 0 : index
    %get3A_643 = arith.constant 0 : index
    %get3A_644 = vector.load %arg2[%get3A_642, %get3A_643] : memref<768x4096xf32, #tpu.memory_space<vmem>>, vector<768x4096xf32>
    %dot_general3A_645 = arith.constant dense<0.000000e+00> : vector<128x4096xf32>
    %dot_general3A_646 = tpu.matmul %get3A_641, %get3A_644, %dot_general3A_645 {dimension_numbers = #tpu.dot_dimension_numbers<[1], [0], [0], [1], [0, 0, 1, 1], [], []>, transpose_lhs_hint = false} : vector<128x768xf32>, vector<768x4096xf32>, vector<128x4096xf32> -> vector<128x4096xf32>
    %reshape3A_647 = vector.shape_cast %dot_general3A_646 : vector<128x4096xf32> to vector<8x16x4096xf32>
    %slice3A_648 = vector.extract_strided_slice %reshape3A_647 {offsets = [0, 0, 0], sizes = [1, 16, 4096], strides = [1, 1, 1]} : vector<8x16x4096xf32> to vector<1x16x4096xf32>
    %squeeze3A_649 = vector.shape_cast %slice3A_648 : vector<1x16x4096xf32> to vector<16x4096xf32>
    %broadcast_in_dim3A_650 = arith.constant 0 : i32
    %broadcast_in_dim3A_651 = vector.broadcast %broadcast_in_dim3A_650 : i32 to vector<16x4096xi32>
    %broadcast_in_dim3A_652 = arith.constant 0xFF800000 : f32
    %broadcast_in_dim3A_653 = vector.broadcast %broadcast_in_dim3A_652 : f32 to vector<16x4096xf32>
    %broadcast_in_dim3A_654 = arith.constant 0 : i32
    %broadcast_in_dim3A_655 = vector.broadcast %broadcast_in_dim3A_654 : i32 to vector<16x4096xi32>
    %slice3A_656 = vector.extract_strided_slice %reshape3A_647 {offsets = [1, 0, 0], sizes = [1, 16, 4096], strides = [1, 1, 1]} : vector<8x16x4096xf32> to vector<1x16x4096xf32>
    %squeeze3A_657 = vector.shape_cast %slice3A_656 : vector<1x16x4096xf32> to vector<16x4096xf32>
    %gt3A_658 = arith.cmpf ogt, %squeeze3A_657, %squeeze3A_649 : vector<16x4096xf32>
    %gt3A_659 = arith.cmpf ogt, %squeeze3A_657, %broadcast_in_dim3A_653 : vector<16x4096xf32>
    %select_n3A_660 = arith.select %gt3A_659, %squeeze3A_657, %broadcast_in_dim3A_653 : vector<16x4096xi1>, vector<16x4096xf32>
    %select_n3A_661 = arith.select %gt3A_658, %squeeze3A_649, %select_n3A_660 : vector<16x4096xi1>, vector<16x4096xf32>
    %jit3A_662 = arith.constant 1 : i32
    %broadcast_in_dim3A_663 = vector.broadcast %jit3A_662 : i32 to vector<16x4096xi32>
    %select_n3A_664 = arith.select %gt3A_659, %broadcast_in_dim3A_663, %broadcast_in_dim3A_655 : vector<16x4096xi1>, vector<16x4096xi32>
    %select_n3A_665 = arith.select %gt3A_658, %broadcast_in_dim3A_651, %select_n3A_664 : vector<16x4096xi1>, vector<16x4096xi32>
    %select_n3A_666 = arith.select %gt3A_658, %squeeze3A_657, %squeeze3A_649 : vector<16x4096xi1>, vector<16x4096xf32>
    %jit3A_667 = arith.constant 1 : i32
    %broadcast_in_dim3A_668 = vector.broadcast %jit3A_667 : i32 to vector<16x4096xi32>
    %select_n3A_669 = arith.select %gt3A_658, %broadcast_in_dim3A_668, %broadcast_in_dim3A_651 : vector<16x4096xi1>, vector<16x4096xi32>
    %slice3A_670 = vector.extract_strided_slice %reshape3A_647 {offsets = [2, 0, 0], sizes = [1, 16, 4096], strides = [1, 1, 1]} : vector<8x16x4096xf32> to vector<1x16x4096xf32>
    %squeeze3A_671 = vector.shape_cast %slice3A_670 : vector<1x16x4096xf32> to vector<16x4096xf32>
    %gt3A_672 = arith.cmpf ogt, %squeeze3A_671, %select_n3A_666 : vector<16x4096xf32>
    %gt3A_673 = arith.cmpf ogt, %squeeze3A_671, %select_n3A_661 : vector<16x4096xf32>
    %select_n3A_674 = arith.select %gt3A_673, %squeeze3A_671, %select_n3A_661 : vector<16x4096xi1>, vector<16x4096xf32>
    %select_n3A_675 = arith.select %gt3A_672, %select_n3A_666, %select_n3A_674 : vector<16x4096xi1>, vector<16x4096xf32>
    %jit3A_676 = arith.constant 2 : i32
    %broadcast_in_dim3A_677 = vector.broadcast %jit3A_676 : i32 to vector<16x4096xi32>
    %select_n3A_678 = arith.select %gt3A_673, %broadcast_in_dim3A_677, %select_n3A_665 : vector<16x4096xi1>, vector<16x4096xi32>
    %select_n3A_679 = arith.select %gt3A_672, %select_n3A_669, %select_n3A_678 : vector<16x4096xi1>, vector<16x4096xi32>
    %select_n3A_680 = arith.select %gt3A_672, %squeeze3A_671, %select_n3A_666 : vector<16x4096xi1>, vector<16x4096xf32>
    %jit3A_681 = arith.constant 2 : i32
    %broadcast_in_dim3A_682 = vector.broadcast %jit3A_681 : i32 to vector<16x4096xi32>
    %select_n3A_683 = arith.select %gt3A_672, %broadcast_in_dim3A_682, %select_n3A_669 : vector<16x4096xi1>, vector<16x4096xi32>
    %slice3A_684 = vector.extract_strided_slice %reshape3A_647 {offsets = [3, 0, 0], sizes = [1, 16, 4096], strides = [1, 1, 1]} : vector<8x16x4096xf32> to vector<1x16x4096xf32>
    %squeeze3A_685 = vector.shape_cast %slice3A_684 : vector<1x16x4096xf32> to vector<16x4096xf32>
    %gt3A_686 = arith.cmpf ogt, %squeeze3A_685, %select_n3A_680 : vector<16x4096xf32>
    %gt3A_687 = arith.cmpf ogt, %squeeze3A_685, %select_n3A_675 : vector<16x4096xf32>
    %select_n3A_688 = arith.select %gt3A_687, %squeeze3A_685, %select_n3A_675 : vector<16x4096xi1>, vector<16x4096xf32>
    %select_n3A_689 = arith.select %gt3A_686, %select_n3A_680, %select_n3A_688 : vector<16x4096xi1>, vector<16x4096xf32>
    %jit3A_690 = arith.constant 3 : i32
    %broadcast_in_dim3A_691 = vector.broadcast %jit3A_690 : i32 to vector<16x4096xi32>
    %select_n3A_692 = arith.select %gt3A_687, %broadcast_in_dim3A_691, %select_n3A_679 : vector<16x4096xi1>, vector<16x4096xi32>
    %select_n3A_693 = arith.select %gt3A_686, %select_n3A_683, %select_n3A_692 : vector<16x4096xi1>, vector<16x4096xi32>
    %select_n3A_694 = arith.select %gt3A_686, %squeeze3A_685, %select_n3A_680 : vector<16x4096xi1>, vector<16x4096xf32>
    %jit3A_695 = arith.constant 3 : i32
    %broadcast_in_dim3A_696 = vector.broadcast %jit3A_695 : i32 to vector<16x4096xi32>
    %select_n3A_697 = arith.select %gt3A_686, %broadcast_in_dim3A_696, %select_n3A_683 : vector<16x4096xi1>, vector<16x4096xi32>
    %slice3A_698 = vector.extract_strided_slice %reshape3A_647 {offsets = [4, 0, 0], sizes = [1, 16, 4096], strides = [1, 1, 1]} : vector<8x16x4096xf32> to vector<1x16x4096xf32>
    %squeeze3A_699 = vector.shape_cast %slice3A_698 : vector<1x16x4096xf32> to vector<16x4096xf32>
    %gt3A_700 = arith.cmpf ogt, %squeeze3A_699, %select_n3A_694 : vector<16x4096xf32>
    %gt3A_701 = arith.cmpf ogt, %squeeze3A_699, %select_n3A_689 : vector<16x4096xf32>
    %select_n3A_702 = arith.select %gt3A_701, %squeeze3A_699, %select_n3A_689 : vector<16x4096xi1>, vector<16x4096xf32>
    %select_n3A_703 = arith.select %gt3A_700, %select_n3A_694, %select_n3A_702 : vector<16x4096xi1>, vector<16x4096xf32>
    %jit3A_704 = arith.constant 4 : i32
    %broadcast_in_dim3A_705 = vector.broadcast %jit3A_704 : i32 to vector<16x4096xi32>
    %select_n3A_706 = arith.select %gt3A_701, %broadcast_in_dim3A_705, %select_n3A_693 : vector<16x4096xi1>, vector<16x4096xi32>
    %select_n3A_707 = arith.select %gt3A_700, %select_n3A_697, %select_n3A_706 : vector<16x4096xi1>, vector<16x4096xi32>
    %select_n3A_708 = arith.select %gt3A_700, %squeeze3A_699, %select_n3A_694 : vector<16x4096xi1>, vector<16x4096xf32>
    %jit3A_709 = arith.constant 4 : i32
    %broadcast_in_dim3A_710 = vector.broadcast %jit3A_709 : i32 to vector<16x4096xi32>
    %select_n3A_711 = arith.select %gt3A_700, %broadcast_in_dim3A_710, %select_n3A_697 : vector<16x4096xi1>, vector<16x4096xi32>
    %slice3A_712 = vector.extract_strided_slice %reshape3A_647 {offsets = [5, 0, 0], sizes = [1, 16, 4096], strides = [1, 1, 1]} : vector<8x16x4096xf32> to vector<1x16x4096xf32>
    %squeeze3A_713 = vector.shape_cast %slice3A_712 : vector<1x16x4096xf32> to vector<16x4096xf32>
    %gt3A_714 = arith.cmpf ogt, %squeeze3A_713, %select_n3A_708 : vector<16x4096xf32>
    %gt3A_715 = arith.cmpf ogt, %squeeze3A_713, %select_n3A_703 : vector<16x4096xf32>
    %select_n3A_716 = arith.select %gt3A_715, %squeeze3A_713, %select_n3A_703 : vector<16x4096xi1>, vector<16x4096xf32>
    %select_n3A_717 = arith.select %gt3A_714, %select_n3A_708, %select_n3A_716 : vector<16x4096xi1>, vector<16x4096xf32>
    %jit3A_718 = arith.constant 5 : i32
    %broadcast_in_dim3A_719 = vector.broadcast %jit3A_718 : i32 to vector<16x4096xi32>
    %select_n3A_720 = arith.select %gt3A_715, %broadcast_in_dim3A_719, %select_n3A_707 : vector<16x4096xi1>, vector<16x4096xi32>
    %select_n3A_721 = arith.select %gt3A_714, %select_n3A_711, %select_n3A_720 : vector<16x4096xi1>, vector<16x4096xi32>
    %select_n3A_722 = arith.select %gt3A_714, %squeeze3A_713, %select_n3A_708 : vector<16x4096xi1>, vector<16x4096xf32>
    %jit3A_723 = arith.constant 5 : i32
    %broadcast_in_dim3A_724 = vector.broadcast %jit3A_723 : i32 to vector<16x4096xi32>
    %select_n3A_725 = arith.select %gt3A_714, %broadcast_in_dim3A_724, %select_n3A_711 : vector<16x4096xi1>, vector<16x4096xi32>
    %slice3A_726 = vector.extract_strided_slice %reshape3A_647 {offsets = [6, 0, 0], sizes = [1, 16, 4096], strides = [1, 1, 1]} : vector<8x16x4096xf32> to vector<1x16x4096xf32>
    %squeeze3A_727 = vector.shape_cast %slice3A_726 : vector<1x16x4096xf32> to vector<16x4096xf32>
    %gt3A_728 = arith.cmpf ogt, %squeeze3A_727, %select_n3A_722 : vector<16x4096xf32>
    %gt3A_729 = arith.cmpf ogt, %squeeze3A_727, %select_n3A_717 : vector<16x4096xf32>
    %select_n3A_730 = arith.select %gt3A_729, %squeeze3A_727, %select_n3A_717 : vector<16x4096xi1>, vector<16x4096xf32>
    %select_n3A_731 = arith.select %gt3A_728, %select_n3A_722, %select_n3A_730 : vector<16x4096xi1>, vector<16x4096xf32>
    %jit3A_732 = arith.constant 6 : i32
    %broadcast_in_dim3A_733 = vector.broadcast %jit3A_732 : i32 to vector<16x4096xi32>
    %select_n3A_734 = arith.select %gt3A_729, %broadcast_in_dim3A_733, %select_n3A_721 : vector<16x4096xi1>, vector<16x4096xi32>
    %select_n3A_735 = arith.select %gt3A_728, %select_n3A_725, %select_n3A_734 : vector<16x4096xi1>, vector<16x4096xi32>
    %select_n3A_736 = arith.select %gt3A_728, %squeeze3A_727, %select_n3A_722 : vector<16x4096xi1>, vector<16x4096xf32>
    %jit3A_737 = arith.constant 6 : i32
    %broadcast_in_dim3A_738 = vector.broadcast %jit3A_737 : i32 to vector<16x4096xi32>
    %select_n3A_739 = arith.select %gt3A_728, %broadcast_in_dim3A_738, %select_n3A_725 : vector<16x4096xi1>, vector<16x4096xi32>
    %slice3A_740 = vector.extract_strided_slice %reshape3A_647 {offsets = [7, 0, 0], sizes = [1, 16, 4096], strides = [1, 1, 1]} : vector<8x16x4096xf32> to vector<1x16x4096xf32>
    %squeeze3A_741 = vector.shape_cast %slice3A_740 : vector<1x16x4096xf32> to vector<16x4096xf32>
    %gt3A_742 = arith.cmpf ogt, %squeeze3A_741, %select_n3A_736 : vector<16x4096xf32>
    %gt3A_743 = arith.cmpf ogt, %squeeze3A_741, %select_n3A_731 : vector<16x4096xf32>
    %select_n3A_744 = arith.select %gt3A_743, %squeeze3A_741, %select_n3A_731 : vector<16x4096xi1>, vector<16x4096xf32>
    %select_n3A_745 = arith.select %gt3A_742, %select_n3A_736, %select_n3A_744 : vector<16x4096xi1>, vector<16x4096xf32>
    %jit3A_746 = arith.constant 7 : i32
    %broadcast_in_dim3A_747 = vector.broadcast %jit3A_746 : i32 to vector<16x4096xi32>
    %select_n3A_748 = arith.select %gt3A_743, %broadcast_in_dim3A_747, %select_n3A_735 : vector<16x4096xi1>, vector<16x4096xi32>
    %select_n3A_749 = arith.select %gt3A_742, %select_n3A_739, %select_n3A_748 : vector<16x4096xi1>, vector<16x4096xi32>
    %select_n3A_750 = arith.select %gt3A_742, %squeeze3A_741, %select_n3A_736 : vector<16x4096xi1>, vector<16x4096xf32>
    %jit3A_751 = arith.constant 7 : i32
    %broadcast_in_dim3A_752 = vector.broadcast %jit3A_751 : i32 to vector<16x4096xi32>
    %select_n3A_753 = arith.select %gt3A_742, %broadcast_in_dim3A_752, %select_n3A_739 : vector<16x4096xi1>, vector<16x4096xi32>
    %add3A_754 = arith.constant 640 : i32
    %add3A_755 = arith.addi %min3A_3, %add3A_754 : i32
    %mul3A_756 = arith.constant 16 : i32
    %mul3A_757 = vector.broadcast %mul3A_756 : i32 to vector<16x4096xi32>
    %mul3A_758 = arith.muli %select_n3A_753, %mul3A_757 : vector<16x4096xi32>
    %add3A_759 = vector.broadcast %add3A_755 : i32 to vector<16x4096xi32>
    %add3A_760 = arith.addi %add3A_759, %mul3A_758 : vector<16x4096xi32>
    %add3A_761 = arith.addi %add3A_760, %iota3A : vector<16x4096xi32>
    %mul3A_762 = arith.constant 16 : i32
    %mul3A_763 = vector.broadcast %mul3A_762 : i32 to vector<16x4096xi32>
    %mul3A_764 = arith.muli %select_n3A_749, %mul3A_763 : vector<16x4096xi32>
    %add3A_765 = vector.broadcast %add3A_755 : i32 to vector<16x4096xi32>
    %add3A_766 = arith.addi %add3A_765, %mul3A_764 : vector<16x4096xi32>
    %add3A_767 = arith.addi %add3A_766, %iota3A : vector<16x4096xi32>
    %get3A_768 = arith.constant 768 : index
    %get3A_769 = arith.constant 0 : index
    %get3A_770 = vector.load %arg3[%get3A_768, %get3A_769] : memref<1024x768xf32, #tpu.memory_space<vmem>>, vector<128x768xf32>
    %get3A_771 = arith.constant 0 : index
    %get3A_772 = arith.constant 0 : index
    %get3A_773 = vector.load %arg2[%get3A_771, %get3A_772] : memref<768x4096xf32, #tpu.memory_space<vmem>>, vector<768x4096xf32>
    %dot_general3A_774 = arith.constant dense<0.000000e+00> : vector<128x4096xf32>
    %dot_general3A_775 = tpu.matmul %get3A_770, %get3A_773, %dot_general3A_774 {dimension_numbers = #tpu.dot_dimension_numbers<[1], [0], [0], [1], [0, 0, 1, 1], [], []>, transpose_lhs_hint = false} : vector<128x768xf32>, vector<768x4096xf32>, vector<128x4096xf32> -> vector<128x4096xf32>
    %reshape3A_776 = vector.shape_cast %dot_general3A_775 : vector<128x4096xf32> to vector<8x16x4096xf32>
    %slice3A_777 = vector.extract_strided_slice %reshape3A_776 {offsets = [0, 0, 0], sizes = [1, 16, 4096], strides = [1, 1, 1]} : vector<8x16x4096xf32> to vector<1x16x4096xf32>
    %squeeze3A_778 = vector.shape_cast %slice3A_777 : vector<1x16x4096xf32> to vector<16x4096xf32>
    %broadcast_in_dim3A_779 = arith.constant 0 : i32
    %broadcast_in_dim3A_780 = vector.broadcast %broadcast_in_dim3A_779 : i32 to vector<16x4096xi32>
    %broadcast_in_dim3A_781 = arith.constant 0xFF800000 : f32
    %broadcast_in_dim3A_782 = vector.broadcast %broadcast_in_dim3A_781 : f32 to vector<16x4096xf32>
    %broadcast_in_dim3A_783 = arith.constant 0 : i32
    %broadcast_in_dim3A_784 = vector.broadcast %broadcast_in_dim3A_783 : i32 to vector<16x4096xi32>
    %slice3A_785 = vector.extract_strided_slice %reshape3A_776 {offsets = [1, 0, 0], sizes = [1, 16, 4096], strides = [1, 1, 1]} : vector<8x16x4096xf32> to vector<1x16x4096xf32>
    %squeeze3A_786 = vector.shape_cast %slice3A_785 : vector<1x16x4096xf32> to vector<16x4096xf32>
    %gt3A_787 = arith.cmpf ogt, %squeeze3A_786, %squeeze3A_778 : vector<16x4096xf32>
    %gt3A_788 = arith.cmpf ogt, %squeeze3A_786, %broadcast_in_dim3A_782 : vector<16x4096xf32>
    %select_n3A_789 = arith.select %gt3A_788, %squeeze3A_786, %broadcast_in_dim3A_782 : vector<16x4096xi1>, vector<16x4096xf32>
    %select_n3A_790 = arith.select %gt3A_787, %squeeze3A_778, %select_n3A_789 : vector<16x4096xi1>, vector<16x4096xf32>
    %jit3A_791 = arith.constant 1 : i32
    %broadcast_in_dim3A_792 = vector.broadcast %jit3A_791 : i32 to vector<16x4096xi32>
    %select_n3A_793 = arith.select %gt3A_788, %broadcast_in_dim3A_792, %broadcast_in_dim3A_784 : vector<16x4096xi1>, vector<16x4096xi32>
    %select_n3A_794 = arith.select %gt3A_787, %broadcast_in_dim3A_780, %select_n3A_793 : vector<16x4096xi1>, vector<16x4096xi32>
    %select_n3A_795 = arith.select %gt3A_787, %squeeze3A_786, %squeeze3A_778 : vector<16x4096xi1>, vector<16x4096xf32>
    %jit3A_796 = arith.constant 1 : i32
    %broadcast_in_dim3A_797 = vector.broadcast %jit3A_796 : i32 to vector<16x4096xi32>
    %select_n3A_798 = arith.select %gt3A_787, %broadcast_in_dim3A_797, %broadcast_in_dim3A_780 : vector<16x4096xi1>, vector<16x4096xi32>
    %slice3A_799 = vector.extract_strided_slice %reshape3A_776 {offsets = [2, 0, 0], sizes = [1, 16, 4096], strides = [1, 1, 1]} : vector<8x16x4096xf32> to vector<1x16x4096xf32>
    %squeeze3A_800 = vector.shape_cast %slice3A_799 : vector<1x16x4096xf32> to vector<16x4096xf32>
    %gt3A_801 = arith.cmpf ogt, %squeeze3A_800, %select_n3A_795 : vector<16x4096xf32>
    %gt3A_802 = arith.cmpf ogt, %squeeze3A_800, %select_n3A_790 : vector<16x4096xf32>
    %select_n3A_803 = arith.select %gt3A_802, %squeeze3A_800, %select_n3A_790 : vector<16x4096xi1>, vector<16x4096xf32>
    %select_n3A_804 = arith.select %gt3A_801, %select_n3A_795, %select_n3A_803 : vector<16x4096xi1>, vector<16x4096xf32>
    %jit3A_805 = arith.constant 2 : i32
    %broadcast_in_dim3A_806 = vector.broadcast %jit3A_805 : i32 to vector<16x4096xi32>
    %select_n3A_807 = arith.select %gt3A_802, %broadcast_in_dim3A_806, %select_n3A_794 : vector<16x4096xi1>, vector<16x4096xi32>
    %select_n3A_808 = arith.select %gt3A_801, %select_n3A_798, %select_n3A_807 : vector<16x4096xi1>, vector<16x4096xi32>
    %select_n3A_809 = arith.select %gt3A_801, %squeeze3A_800, %select_n3A_795 : vector<16x4096xi1>, vector<16x4096xf32>
    %jit3A_810 = arith.constant 2 : i32
    %broadcast_in_dim3A_811 = vector.broadcast %jit3A_810 : i32 to vector<16x4096xi32>
    %select_n3A_812 = arith.select %gt3A_801, %broadcast_in_dim3A_811, %select_n3A_798 : vector<16x4096xi1>, vector<16x4096xi32>
    %slice3A_813 = vector.extract_strided_slice %reshape3A_776 {offsets = [3, 0, 0], sizes = [1, 16, 4096], strides = [1, 1, 1]} : vector<8x16x4096xf32> to vector<1x16x4096xf32>
    %squeeze3A_814 = vector.shape_cast %slice3A_813 : vector<1x16x4096xf32> to vector<16x4096xf32>
    %gt3A_815 = arith.cmpf ogt, %squeeze3A_814, %select_n3A_809 : vector<16x4096xf32>
    %gt3A_816 = arith.cmpf ogt, %squeeze3A_814, %select_n3A_804 : vector<16x4096xf32>
    %select_n3A_817 = arith.select %gt3A_816, %squeeze3A_814, %select_n3A_804 : vector<16x4096xi1>, vector<16x4096xf32>
    %select_n3A_818 = arith.select %gt3A_815, %select_n3A_809, %select_n3A_817 : vector<16x4096xi1>, vector<16x4096xf32>
    %jit3A_819 = arith.constant 3 : i32
    %broadcast_in_dim3A_820 = vector.broadcast %jit3A_819 : i32 to vector<16x4096xi32>
    %select_n3A_821 = arith.select %gt3A_816, %broadcast_in_dim3A_820, %select_n3A_808 : vector<16x4096xi1>, vector<16x4096xi32>
    %select_n3A_822 = arith.select %gt3A_815, %select_n3A_812, %select_n3A_821 : vector<16x4096xi1>, vector<16x4096xi32>
    %select_n3A_823 = arith.select %gt3A_815, %squeeze3A_814, %select_n3A_809 : vector<16x4096xi1>, vector<16x4096xf32>
    %jit3A_824 = arith.constant 3 : i32
    %broadcast_in_dim3A_825 = vector.broadcast %jit3A_824 : i32 to vector<16x4096xi32>
    %select_n3A_826 = arith.select %gt3A_815, %broadcast_in_dim3A_825, %select_n3A_812 : vector<16x4096xi1>, vector<16x4096xi32>
    %slice3A_827 = vector.extract_strided_slice %reshape3A_776 {offsets = [4, 0, 0], sizes = [1, 16, 4096], strides = [1, 1, 1]} : vector<8x16x4096xf32> to vector<1x16x4096xf32>
    %squeeze3A_828 = vector.shape_cast %slice3A_827 : vector<1x16x4096xf32> to vector<16x4096xf32>
    %gt3A_829 = arith.cmpf ogt, %squeeze3A_828, %select_n3A_823 : vector<16x4096xf32>
    %gt3A_830 = arith.cmpf ogt, %squeeze3A_828, %select_n3A_818 : vector<16x4096xf32>
    %select_n3A_831 = arith.select %gt3A_830, %squeeze3A_828, %select_n3A_818 : vector<16x4096xi1>, vector<16x4096xf32>
    %select_n3A_832 = arith.select %gt3A_829, %select_n3A_823, %select_n3A_831 : vector<16x4096xi1>, vector<16x4096xf32>
    %jit3A_833 = arith.constant 4 : i32
    %broadcast_in_dim3A_834 = vector.broadcast %jit3A_833 : i32 to vector<16x4096xi32>
    %select_n3A_835 = arith.select %gt3A_830, %broadcast_in_dim3A_834, %select_n3A_822 : vector<16x4096xi1>, vector<16x4096xi32>
    %select_n3A_836 = arith.select %gt3A_829, %select_n3A_826, %select_n3A_835 : vector<16x4096xi1>, vector<16x4096xi32>
    %select_n3A_837 = arith.select %gt3A_829, %squeeze3A_828, %select_n3A_823 : vector<16x4096xi1>, vector<16x4096xf32>
    %jit3A_838 = arith.constant 4 : i32
    %broadcast_in_dim3A_839 = vector.broadcast %jit3A_838 : i32 to vector<16x4096xi32>
    %select_n3A_840 = arith.select %gt3A_829, %broadcast_in_dim3A_839, %select_n3A_826 : vector<16x4096xi1>, vector<16x4096xi32>
    %slice3A_841 = vector.extract_strided_slice %reshape3A_776 {offsets = [5, 0, 0], sizes = [1, 16, 4096], strides = [1, 1, 1]} : vector<8x16x4096xf32> to vector<1x16x4096xf32>
    %squeeze3A_842 = vector.shape_cast %slice3A_841 : vector<1x16x4096xf32> to vector<16x4096xf32>
    %gt3A_843 = arith.cmpf ogt, %squeeze3A_842, %select_n3A_837 : vector<16x4096xf32>
    %gt3A_844 = arith.cmpf ogt, %squeeze3A_842, %select_n3A_832 : vector<16x4096xf32>
    %select_n3A_845 = arith.select %gt3A_844, %squeeze3A_842, %select_n3A_832 : vector<16x4096xi1>, vector<16x4096xf32>
    %select_n3A_846 = arith.select %gt3A_843, %select_n3A_837, %select_n3A_845 : vector<16x4096xi1>, vector<16x4096xf32>
    %jit3A_847 = arith.constant 5 : i32
    %broadcast_in_dim3A_848 = vector.broadcast %jit3A_847 : i32 to vector<16x4096xi32>
    %select_n3A_849 = arith.select %gt3A_844, %broadcast_in_dim3A_848, %select_n3A_836 : vector<16x4096xi1>, vector<16x4096xi32>
    %select_n3A_850 = arith.select %gt3A_843, %select_n3A_840, %select_n3A_849 : vector<16x4096xi1>, vector<16x4096xi32>
    %select_n3A_851 = arith.select %gt3A_843, %squeeze3A_842, %select_n3A_837 : vector<16x4096xi1>, vector<16x4096xf32>
    %jit3A_852 = arith.constant 5 : i32
    %broadcast_in_dim3A_853 = vector.broadcast %jit3A_852 : i32 to vector<16x4096xi32>
    %select_n3A_854 = arith.select %gt3A_843, %broadcast_in_dim3A_853, %select_n3A_840 : vector<16x4096xi1>, vector<16x4096xi32>
    %slice3A_855 = vector.extract_strided_slice %reshape3A_776 {offsets = [6, 0, 0], sizes = [1, 16, 4096], strides = [1, 1, 1]} : vector<8x16x4096xf32> to vector<1x16x4096xf32>
    %squeeze3A_856 = vector.shape_cast %slice3A_855 : vector<1x16x4096xf32> to vector<16x4096xf32>
    %gt3A_857 = arith.cmpf ogt, %squeeze3A_856, %select_n3A_851 : vector<16x4096xf32>
    %gt3A_858 = arith.cmpf ogt, %squeeze3A_856, %select_n3A_846 : vector<16x4096xf32>
    %select_n3A_859 = arith.select %gt3A_858, %squeeze3A_856, %select_n3A_846 : vector<16x4096xi1>, vector<16x4096xf32>
    %select_n3A_860 = arith.select %gt3A_857, %select_n3A_851, %select_n3A_859 : vector<16x4096xi1>, vector<16x4096xf32>
    %jit3A_861 = arith.constant 6 : i32
    %broadcast_in_dim3A_862 = vector.broadcast %jit3A_861 : i32 to vector<16x4096xi32>
    %select_n3A_863 = arith.select %gt3A_858, %broadcast_in_dim3A_862, %select_n3A_850 : vector<16x4096xi1>, vector<16x4096xi32>
    %select_n3A_864 = arith.select %gt3A_857, %select_n3A_854, %select_n3A_863 : vector<16x4096xi1>, vector<16x4096xi32>
    %select_n3A_865 = arith.select %gt3A_857, %squeeze3A_856, %select_n3A_851 : vector<16x4096xi1>, vector<16x4096xf32>
    %jit3A_866 = arith.constant 6 : i32
    %broadcast_in_dim3A_867 = vector.broadcast %jit3A_866 : i32 to vector<16x4096xi32>
    %select_n3A_868 = arith.select %gt3A_857, %broadcast_in_dim3A_867, %select_n3A_854 : vector<16x4096xi1>, vector<16x4096xi32>
    %slice3A_869 = vector.extract_strided_slice %reshape3A_776 {offsets = [7, 0, 0], sizes = [1, 16, 4096], strides = [1, 1, 1]} : vector<8x16x4096xf32> to vector<1x16x4096xf32>
    %squeeze3A_870 = vector.shape_cast %slice3A_869 : vector<1x16x4096xf32> to vector<16x4096xf32>
    %gt3A_871 = arith.cmpf ogt, %squeeze3A_870, %select_n3A_865 : vector<16x4096xf32>
    %gt3A_872 = arith.cmpf ogt, %squeeze3A_870, %select_n3A_860 : vector<16x4096xf32>
    %select_n3A_873 = arith.select %gt3A_872, %squeeze3A_870, %select_n3A_860 : vector<16x4096xi1>, vector<16x4096xf32>
    %select_n3A_874 = arith.select %gt3A_871, %select_n3A_865, %select_n3A_873 : vector<16x4096xi1>, vector<16x4096xf32>
    %jit3A_875 = arith.constant 7 : i32
    %broadcast_in_dim3A_876 = vector.broadcast %jit3A_875 : i32 to vector<16x4096xi32>
    %select_n3A_877 = arith.select %gt3A_872, %broadcast_in_dim3A_876, %select_n3A_864 : vector<16x4096xi1>, vector<16x4096xi32>
    %select_n3A_878 = arith.select %gt3A_871, %select_n3A_868, %select_n3A_877 : vector<16x4096xi1>, vector<16x4096xi32>
    %select_n3A_879 = arith.select %gt3A_871, %squeeze3A_870, %select_n3A_865 : vector<16x4096xi1>, vector<16x4096xf32>
    %jit3A_880 = arith.constant 7 : i32
    %broadcast_in_dim3A_881 = vector.broadcast %jit3A_880 : i32 to vector<16x4096xi32>
    %select_n3A_882 = arith.select %gt3A_871, %broadcast_in_dim3A_881, %select_n3A_868 : vector<16x4096xi1>, vector<16x4096xi32>
    %add3A_883 = arith.constant 768 : i32
    %add3A_884 = arith.addi %min3A_3, %add3A_883 : i32
    %mul3A_885 = arith.constant 16 : i32
    %mul3A_886 = vector.broadcast %mul3A_885 : i32 to vector<16x4096xi32>
    %mul3A_887 = arith.muli %select_n3A_882, %mul3A_886 : vector<16x4096xi32>
    %add3A_888 = vector.broadcast %add3A_884 : i32 to vector<16x4096xi32>
    %add3A_889 = arith.addi %add3A_888, %mul3A_887 : vector<16x4096xi32>
    %add3A_890 = arith.addi %add3A_889, %iota3A : vector<16x4096xi32>
    %mul3A_891 = arith.constant 16 : i32
    %mul3A_892 = vector.broadcast %mul3A_891 : i32 to vector<16x4096xi32>
    %mul3A_893 = arith.muli %select_n3A_878, %mul3A_892 : vector<16x4096xi32>
    %add3A_894 = vector.broadcast %add3A_884 : i32 to vector<16x4096xi32>
    %add3A_895 = arith.addi %add3A_894, %mul3A_893 : vector<16x4096xi32>
    %add3A_896 = arith.addi %add3A_895, %iota3A : vector<16x4096xi32>
    %get3A_897 = arith.constant 896 : index
    %get3A_898 = arith.constant 0 : index
    %get3A_899 = vector.load %arg3[%get3A_897, %get3A_898] : memref<1024x768xf32, #tpu.memory_space<vmem>>, vector<128x768xf32>
    %get3A_900 = arith.constant 0 : index
    %get3A_901 = arith.constant 0 : index
    %get3A_902 = vector.load %arg2[%get3A_900, %get3A_901] : memref<768x4096xf32, #tpu.memory_space<vmem>>, vector<768x4096xf32>
    %dot_general3A_903 = arith.constant dense<0.000000e+00> : vector<128x4096xf32>
    %dot_general3A_904 = tpu.matmul %get3A_899, %get3A_902, %dot_general3A_903 {dimension_numbers = #tpu.dot_dimension_numbers<[1], [0], [0], [1], [0, 0, 1, 1], [], []>, transpose_lhs_hint = false} : vector<128x768xf32>, vector<768x4096xf32>, vector<128x4096xf32> -> vector<128x4096xf32>
    %reshape3A_905 = vector.shape_cast %dot_general3A_904 : vector<128x4096xf32> to vector<8x16x4096xf32>
    %slice3A_906 = vector.extract_strided_slice %reshape3A_905 {offsets = [0, 0, 0], sizes = [1, 16, 4096], strides = [1, 1, 1]} : vector<8x16x4096xf32> to vector<1x16x4096xf32>
    %squeeze3A_907 = vector.shape_cast %slice3A_906 : vector<1x16x4096xf32> to vector<16x4096xf32>
    %broadcast_in_dim3A_908 = arith.constant 0 : i32
    %broadcast_in_dim3A_909 = vector.broadcast %broadcast_in_dim3A_908 : i32 to vector<16x4096xi32>
    %broadcast_in_dim3A_910 = arith.constant 0xFF800000 : f32
    %broadcast_in_dim3A_911 = vector.broadcast %broadcast_in_dim3A_910 : f32 to vector<16x4096xf32>
    %broadcast_in_dim3A_912 = arith.constant 0 : i32
    %broadcast_in_dim3A_913 = vector.broadcast %broadcast_in_dim3A_912 : i32 to vector<16x4096xi32>
    %slice3A_914 = vector.extract_strided_slice %reshape3A_905 {offsets = [1, 0, 0], sizes = [1, 16, 4096], strides = [1, 1, 1]} : vector<8x16x4096xf32> to vector<1x16x4096xf32>
    %squeeze3A_915 = vector.shape_cast %slice3A_914 : vector<1x16x4096xf32> to vector<16x4096xf32>
    %gt3A_916 = arith.cmpf ogt, %squeeze3A_915, %squeeze3A_907 : vector<16x4096xf32>
    %gt3A_917 = arith.cmpf ogt, %squeeze3A_915, %broadcast_in_dim3A_911 : vector<16x4096xf32>
    %select_n3A_918 = arith.select %gt3A_917, %squeeze3A_915, %broadcast_in_dim3A_911 : vector<16x4096xi1>, vector<16x4096xf32>
    %select_n3A_919 = arith.select %gt3A_916, %squeeze3A_907, %select_n3A_918 : vector<16x4096xi1>, vector<16x4096xf32>
    %jit3A_920 = arith.constant 1 : i32
    %broadcast_in_dim3A_921 = vector.broadcast %jit3A_920 : i32 to vector<16x4096xi32>
    %select_n3A_922 = arith.select %gt3A_917, %broadcast_in_dim3A_921, %broadcast_in_dim3A_913 : vector<16x4096xi1>, vector<16x4096xi32>
    %select_n3A_923 = arith.select %gt3A_916, %broadcast_in_dim3A_909, %select_n3A_922 : vector<16x4096xi1>, vector<16x4096xi32>
    %select_n3A_924 = arith.select %gt3A_916, %squeeze3A_915, %squeeze3A_907 : vector<16x4096xi1>, vector<16x4096xf32>
    %jit3A_925 = arith.constant 1 : i32
    %broadcast_in_dim3A_926 = vector.broadcast %jit3A_925 : i32 to vector<16x4096xi32>
    %select_n3A_927 = arith.select %gt3A_916, %broadcast_in_dim3A_926, %broadcast_in_dim3A_909 : vector<16x4096xi1>, vector<16x4096xi32>
    %slice3A_928 = vector.extract_strided_slice %reshape3A_905 {offsets = [2, 0, 0], sizes = [1, 16, 4096], strides = [1, 1, 1]} : vector<8x16x4096xf32> to vector<1x16x4096xf32>
    %squeeze3A_929 = vector.shape_cast %slice3A_928 : vector<1x16x4096xf32> to vector<16x4096xf32>
    %gt3A_930 = arith.cmpf ogt, %squeeze3A_929, %select_n3A_924 : vector<16x4096xf32>
    %gt3A_931 = arith.cmpf ogt, %squeeze3A_929, %select_n3A_919 : vector<16x4096xf32>
    %select_n3A_932 = arith.select %gt3A_931, %squeeze3A_929, %select_n3A_919 : vector<16x4096xi1>, vector<16x4096xf32>
    %select_n3A_933 = arith.select %gt3A_930, %select_n3A_924, %select_n3A_932 : vector<16x4096xi1>, vector<16x4096xf32>
    %jit3A_934 = arith.constant 2 : i32
    %broadcast_in_dim3A_935 = vector.broadcast %jit3A_934 : i32 to vector<16x4096xi32>
    %select_n3A_936 = arith.select %gt3A_931, %broadcast_in_dim3A_935, %select_n3A_923 : vector<16x4096xi1>, vector<16x4096xi32>
    %select_n3A_937 = arith.select %gt3A_930, %select_n3A_927, %select_n3A_936 : vector<16x4096xi1>, vector<16x4096xi32>
    %select_n3A_938 = arith.select %gt3A_930, %squeeze3A_929, %select_n3A_924 : vector<16x4096xi1>, vector<16x4096xf32>
    %jit3A_939 = arith.constant 2 : i32
    %broadcast_in_dim3A_940 = vector.broadcast %jit3A_939 : i32 to vector<16x4096xi32>
    %select_n3A_941 = arith.select %gt3A_930, %broadcast_in_dim3A_940, %select_n3A_927 : vector<16x4096xi1>, vector<16x4096xi32>
    %slice3A_942 = vector.extract_strided_slice %reshape3A_905 {offsets = [3, 0, 0], sizes = [1, 16, 4096], strides = [1, 1, 1]} : vector<8x16x4096xf32> to vector<1x16x4096xf32>
    %squeeze3A_943 = vector.shape_cast %slice3A_942 : vector<1x16x4096xf32> to vector<16x4096xf32>
    %gt3A_944 = arith.cmpf ogt, %squeeze3A_943, %select_n3A_938 : vector<16x4096xf32>
    %gt3A_945 = arith.cmpf ogt, %squeeze3A_943, %select_n3A_933 : vector<16x4096xf32>
    %select_n3A_946 = arith.select %gt3A_945, %squeeze3A_943, %select_n3A_933 : vector<16x4096xi1>, vector<16x4096xf32>
    %select_n3A_947 = arith.select %gt3A_944, %select_n3A_938, %select_n3A_946 : vector<16x4096xi1>, vector<16x4096xf32>
    %jit3A_948 = arith.constant 3 : i32
    %broadcast_in_dim3A_949 = vector.broadcast %jit3A_948 : i32 to vector<16x4096xi32>
    %select_n3A_950 = arith.select %gt3A_945, %broadcast_in_dim3A_949, %select_n3A_937 : vector<16x4096xi1>, vector<16x4096xi32>
    %select_n3A_951 = arith.select %gt3A_944, %select_n3A_941, %select_n3A_950 : vector<16x4096xi1>, vector<16x4096xi32>
    %select_n3A_952 = arith.select %gt3A_944, %squeeze3A_943, %select_n3A_938 : vector<16x4096xi1>, vector<16x4096xf32>
    %jit3A_953 = arith.constant 3 : i32
    %broadcast_in_dim3A_954 = vector.broadcast %jit3A_953 : i32 to vector<16x4096xi32>
    %select_n3A_955 = arith.select %gt3A_944, %broadcast_in_dim3A_954, %select_n3A_941 : vector<16x4096xi1>, vector<16x4096xi32>
    %slice3A_956 = vector.extract_strided_slice %reshape3A_905 {offsets = [4, 0, 0], sizes = [1, 16, 4096], strides = [1, 1, 1]} : vector<8x16x4096xf32> to vector<1x16x4096xf32>
    %squeeze3A_957 = vector.shape_cast %slice3A_956 : vector<1x16x4096xf32> to vector<16x4096xf32>
    %gt3A_958 = arith.cmpf ogt, %squeeze3A_957, %select_n3A_952 : vector<16x4096xf32>
    %gt3A_959 = arith.cmpf ogt, %squeeze3A_957, %select_n3A_947 : vector<16x4096xf32>
    %select_n3A_960 = arith.select %gt3A_959, %squeeze3A_957, %select_n3A_947 : vector<16x4096xi1>, vector<16x4096xf32>
    %select_n3A_961 = arith.select %gt3A_958, %select_n3A_952, %select_n3A_960 : vector<16x4096xi1>, vector<16x4096xf32>
    %jit3A_962 = arith.constant 4 : i32
    %broadcast_in_dim3A_963 = vector.broadcast %jit3A_962 : i32 to vector<16x4096xi32>
    %select_n3A_964 = arith.select %gt3A_959, %broadcast_in_dim3A_963, %select_n3A_951 : vector<16x4096xi1>, vector<16x4096xi32>
    %select_n3A_965 = arith.select %gt3A_958, %select_n3A_955, %select_n3A_964 : vector<16x4096xi1>, vector<16x4096xi32>
    %select_n3A_966 = arith.select %gt3A_958, %squeeze3A_957, %select_n3A_952 : vector<16x4096xi1>, vector<16x4096xf32>
    %jit3A_967 = arith.constant 4 : i32
    %broadcast_in_dim3A_968 = vector.broadcast %jit3A_967 : i32 to vector<16x4096xi32>
    %select_n3A_969 = arith.select %gt3A_958, %broadcast_in_dim3A_968, %select_n3A_955 : vector<16x4096xi1>, vector<16x4096xi32>
    %slice3A_970 = vector.extract_strided_slice %reshape3A_905 {offsets = [5, 0, 0], sizes = [1, 16, 4096], strides = [1, 1, 1]} : vector<8x16x4096xf32> to vector<1x16x4096xf32>
    %squeeze3A_971 = vector.shape_cast %slice3A_970 : vector<1x16x4096xf32> to vector<16x4096xf32>
    %gt3A_972 = arith.cmpf ogt, %squeeze3A_971, %select_n3A_966 : vector<16x4096xf32>
    %gt3A_973 = arith.cmpf ogt, %squeeze3A_971, %select_n3A_961 : vector<16x4096xf32>
    %select_n3A_974 = arith.select %gt3A_973, %squeeze3A_971, %select_n3A_961 : vector<16x4096xi1>, vector<16x4096xf32>
    %select_n3A_975 = arith.select %gt3A_972, %select_n3A_966, %select_n3A_974 : vector<16x4096xi1>, vector<16x4096xf32>
    %jit3A_976 = arith.constant 5 : i32
    %broadcast_in_dim3A_977 = vector.broadcast %jit3A_976 : i32 to vector<16x4096xi32>
    %select_n3A_978 = arith.select %gt3A_973, %broadcast_in_dim3A_977, %select_n3A_965 : vector<16x4096xi1>, vector<16x4096xi32>
    %select_n3A_979 = arith.select %gt3A_972, %select_n3A_969, %select_n3A_978 : vector<16x4096xi1>, vector<16x4096xi32>
    %select_n3A_980 = arith.select %gt3A_972, %squeeze3A_971, %select_n3A_966 : vector<16x4096xi1>, vector<16x4096xf32>
    %jit3A_981 = arith.constant 5 : i32
    %broadcast_in_dim3A_982 = vector.broadcast %jit3A_981 : i32 to vector<16x4096xi32>
    %select_n3A_983 = arith.select %gt3A_972, %broadcast_in_dim3A_982, %select_n3A_969 : vector<16x4096xi1>, vector<16x4096xi32>
    %slice3A_984 = vector.extract_strided_slice %reshape3A_905 {offsets = [6, 0, 0], sizes = [1, 16, 4096], strides = [1, 1, 1]} : vector<8x16x4096xf32> to vector<1x16x4096xf32>
    %squeeze3A_985 = vector.shape_cast %slice3A_984 : vector<1x16x4096xf32> to vector<16x4096xf32>
    %gt3A_986 = arith.cmpf ogt, %squeeze3A_985, %select_n3A_980 : vector<16x4096xf32>
    %gt3A_987 = arith.cmpf ogt, %squeeze3A_985, %select_n3A_975 : vector<16x4096xf32>
    %select_n3A_988 = arith.select %gt3A_987, %squeeze3A_985, %select_n3A_975 : vector<16x4096xi1>, vector<16x4096xf32>
    %select_n3A_989 = arith.select %gt3A_986, %select_n3A_980, %select_n3A_988 : vector<16x4096xi1>, vector<16x4096xf32>
    %jit3A_990 = arith.constant 6 : i32
    %broadcast_in_dim3A_991 = vector.broadcast %jit3A_990 : i32 to vector<16x4096xi32>
    %select_n3A_992 = arith.select %gt3A_987, %broadcast_in_dim3A_991, %select_n3A_979 : vector<16x4096xi1>, vector<16x4096xi32>
    %select_n3A_993 = arith.select %gt3A_986, %select_n3A_983, %select_n3A_992 : vector<16x4096xi1>, vector<16x4096xi32>
    %select_n3A_994 = arith.select %gt3A_986, %squeeze3A_985, %select_n3A_980 : vector<16x4096xi1>, vector<16x4096xf32>
    %jit3A_995 = arith.constant 6 : i32
    %broadcast_in_dim3A_996 = vector.broadcast %jit3A_995 : i32 to vector<16x4096xi32>
    %select_n3A_997 = arith.select %gt3A_986, %broadcast_in_dim3A_996, %select_n3A_983 : vector<16x4096xi1>, vector<16x4096xi32>
    %slice3A_998 = vector.extract_strided_slice %reshape3A_905 {offsets = [7, 0, 0], sizes = [1, 16, 4096], strides = [1, 1, 1]} : vector<8x16x4096xf32> to vector<1x16x4096xf32>
    %squeeze3A_999 = vector.shape_cast %slice3A_998 : vector<1x16x4096xf32> to vector<16x4096xf32>
    %gt3A_1000 = arith.cmpf ogt, %squeeze3A_999, %select_n3A_994 : vector<16x4096xf32>
    %gt3A_1001 = arith.cmpf ogt, %squeeze3A_999, %select_n3A_989 : vector<16x4096xf32>
    %select_n3A_1002 = arith.select %gt3A_1001, %squeeze3A_999, %select_n3A_989 : vector<16x4096xi1>, vector<16x4096xf32>
    %select_n3A_1003 = arith.select %gt3A_1000, %select_n3A_994, %select_n3A_1002 : vector<16x4096xi1>, vector<16x4096xf32>
    %jit3A_1004 = arith.constant 7 : i32
    %broadcast_in_dim3A_1005 = vector.broadcast %jit3A_1004 : i32 to vector<16x4096xi32>
    %select_n3A_1006 = arith.select %gt3A_1001, %broadcast_in_dim3A_1005, %select_n3A_993 : vector<16x4096xi1>, vector<16x4096xi32>
    %select_n3A_1007 = arith.select %gt3A_1000, %select_n3A_997, %select_n3A_1006 : vector<16x4096xi1>, vector<16x4096xi32>
    %select_n3A_1008 = arith.select %gt3A_1000, %squeeze3A_999, %select_n3A_994 : vector<16x4096xi1>, vector<16x4096xf32>
    %jit3A_1009 = arith.constant 7 : i32
    %broadcast_in_dim3A_1010 = vector.broadcast %jit3A_1009 : i32 to vector<16x4096xi32>
    %select_n3A_1011 = arith.select %gt3A_1000, %broadcast_in_dim3A_1010, %select_n3A_997 : vector<16x4096xi1>, vector<16x4096xi32>
    %add3A_1012 = arith.constant 896 : i32
    %add3A_1013 = arith.addi %min3A_3, %add3A_1012 : i32
    %mul3A_1014 = arith.constant 16 : i32
    %mul3A_1015 = vector.broadcast %mul3A_1014 : i32 to vector<16x4096xi32>
    %mul3A_1016 = arith.muli %select_n3A_1011, %mul3A_1015 : vector<16x4096xi32>
    %add3A_1017 = vector.broadcast %add3A_1013 : i32 to vector<16x4096xi32>
    %add3A_1018 = arith.addi %add3A_1017, %mul3A_1016 : vector<16x4096xi32>
    %add3A_1019 = arith.addi %add3A_1018, %iota3A : vector<16x4096xi32>
    %mul3A_1020 = arith.constant 16 : i32
    %mul3A_1021 = vector.broadcast %mul3A_1020 : i32 to vector<16x4096xi32>
    %mul3A_1022 = arith.muli %select_n3A_1007, %mul3A_1021 : vector<16x4096xi32>
    %add3A_1023 = vector.broadcast %add3A_1013 : i32 to vector<16x4096xi32>
    %add3A_1024 = arith.addi %add3A_1023, %mul3A_1022 : vector<16x4096xi32>
    %add3A_1025 = arith.addi %add3A_1024, %iota3A : vector<16x4096xi32>
    %concatenate3A = tpu.concatenate %select_n3A_101, %select_n3A_229, %select_n3A_358, %select_n3A_487, %select_n3A_616, %select_n3A_745, %select_n3A_874, %select_n3A_1003 in 0 : vector<16x4096xf32>, vector<16x4096xf32>, vector<16x4096xf32>, vector<16x4096xf32>, vector<16x4096xf32>, vector<16x4096xf32>, vector<16x4096xf32>, vector<16x4096xf32> -> vector<128x4096xf32>
    %concatenate3A_1026 = tpu.concatenate %add3A_122, %add3A_251, %add3A_380, %add3A_509, %add3A_638, %add3A_767, %add3A_896, %add3A_1025 in 0 : vector<16x4096xi32>, vector<16x4096xi32>, vector<16x4096xi32>, vector<16x4096xi32>, vector<16x4096xi32>, vector<16x4096xi32>, vector<16x4096xi32>, vector<16x4096xi32> -> vector<128x4096xi32>
    %reshape3A_1027 = vector.shape_cast %concatenate3A : vector<128x4096xf32> to vector<8x16x4096xf32>
    %reshape3A_1028 = vector.shape_cast %concatenate3A_1026 : vector<128x4096xi32> to vector<8x16x4096xi32>
    %slice3A_1029 = vector.extract_strided_slice %reshape3A_1027 {offsets = [0, 0, 0], sizes = [1, 16, 4096], strides = [1, 1, 1]} : vector<8x16x4096xf32> to vector<1x16x4096xf32>
    %squeeze3A_1030 = vector.shape_cast %slice3A_1029 : vector<1x16x4096xf32> to vector<16x4096xf32>
    %slice3A_1031 = vector.extract_strided_slice %reshape3A_1028 {offsets = [0, 0, 0], sizes = [1, 16, 4096], strides = [1, 1, 1]} : vector<8x16x4096xi32> to vector<1x16x4096xi32>
    %squeeze3A_1032 = vector.shape_cast %slice3A_1031 : vector<1x16x4096xi32> to vector<16x4096xi32>
    %slice3A_1033 = vector.extract_strided_slice %reshape3A_1027 {offsets = [1, 0, 0], sizes = [1, 16, 4096], strides = [1, 1, 1]} : vector<8x16x4096xf32> to vector<1x16x4096xf32>
    %squeeze3A_1034 = vector.shape_cast %slice3A_1033 : vector<1x16x4096xf32> to vector<16x4096xf32>
    %gt3A_1035 = arith.cmpf ogt, %squeeze3A_1034, %squeeze3A_1030 : vector<16x4096xf32>
    %select_n3A_1036 = arith.select %gt3A_1035, %squeeze3A_1034, %squeeze3A_1030 : vector<16x4096xi1>, vector<16x4096xf32>
    %slice3A_1037 = vector.extract_strided_slice %reshape3A_1028 {offsets = [1, 0, 0], sizes = [1, 16, 4096], strides = [1, 1, 1]} : vector<8x16x4096xi32> to vector<1x16x4096xi32>
    %squeeze3A_1038 = vector.shape_cast %slice3A_1037 : vector<1x16x4096xi32> to vector<16x4096xi32>
    %select_n3A_1039 = arith.select %gt3A_1035, %squeeze3A_1038, %squeeze3A_1032 : vector<16x4096xi1>, vector<16x4096xi32>
    %slice3A_1040 = vector.extract_strided_slice %reshape3A_1027 {offsets = [2, 0, 0], sizes = [1, 16, 4096], strides = [1, 1, 1]} : vector<8x16x4096xf32> to vector<1x16x4096xf32>
    %squeeze3A_1041 = vector.shape_cast %slice3A_1040 : vector<1x16x4096xf32> to vector<16x4096xf32>
    %gt3A_1042 = arith.cmpf ogt, %squeeze3A_1041, %select_n3A_1036 : vector<16x4096xf32>
    %select_n3A_1043 = arith.select %gt3A_1042, %squeeze3A_1041, %select_n3A_1036 : vector<16x4096xi1>, vector<16x4096xf32>
    %slice3A_1044 = vector.extract_strided_slice %reshape3A_1028 {offsets = [2, 0, 0], sizes = [1, 16, 4096], strides = [1, 1, 1]} : vector<8x16x4096xi32> to vector<1x16x4096xi32>
    %squeeze3A_1045 = vector.shape_cast %slice3A_1044 : vector<1x16x4096xi32> to vector<16x4096xi32>
    %select_n3A_1046 = arith.select %gt3A_1042, %squeeze3A_1045, %select_n3A_1039 : vector<16x4096xi1>, vector<16x4096xi32>
    %slice3A_1047 = vector.extract_strided_slice %reshape3A_1027 {offsets = [3, 0, 0], sizes = [1, 16, 4096], strides = [1, 1, 1]} : vector<8x16x4096xf32> to vector<1x16x4096xf32>
    %squeeze3A_1048 = vector.shape_cast %slice3A_1047 : vector<1x16x4096xf32> to vector<16x4096xf32>
    %gt3A_1049 = arith.cmpf ogt, %squeeze3A_1048, %select_n3A_1043 : vector<16x4096xf32>
    %select_n3A_1050 = arith.select %gt3A_1049, %squeeze3A_1048, %select_n3A_1043 : vector<16x4096xi1>, vector<16x4096xf32>
    %slice3A_1051 = vector.extract_strided_slice %reshape3A_1028 {offsets = [3, 0, 0], sizes = [1, 16, 4096], strides = [1, 1, 1]} : vector<8x16x4096xi32> to vector<1x16x4096xi32>
    %squeeze3A_1052 = vector.shape_cast %slice3A_1051 : vector<1x16x4096xi32> to vector<16x4096xi32>
    %select_n3A_1053 = arith.select %gt3A_1049, %squeeze3A_1052, %select_n3A_1046 : vector<16x4096xi1>, vector<16x4096xi32>
    %slice3A_1054 = vector.extract_strided_slice %reshape3A_1027 {offsets = [4, 0, 0], sizes = [1, 16, 4096], strides = [1, 1, 1]} : vector<8x16x4096xf32> to vector<1x16x4096xf32>
    %squeeze3A_1055 = vector.shape_cast %slice3A_1054 : vector<1x16x4096xf32> to vector<16x4096xf32>
    %gt3A_1056 = arith.cmpf ogt, %squeeze3A_1055, %select_n3A_1050 : vector<16x4096xf32>
    %select_n3A_1057 = arith.select %gt3A_1056, %squeeze3A_1055, %select_n3A_1050 : vector<16x4096xi1>, vector<16x4096xf32>
    %slice3A_1058 = vector.extract_strided_slice %reshape3A_1028 {offsets = [4, 0, 0], sizes = [1, 16, 4096], strides = [1, 1, 1]} : vector<8x16x4096xi32> to vector<1x16x4096xi32>
    %squeeze3A_1059 = vector.shape_cast %slice3A_1058 : vector<1x16x4096xi32> to vector<16x4096xi32>
    %select_n3A_1060 = arith.select %gt3A_1056, %squeeze3A_1059, %select_n3A_1053 : vector<16x4096xi1>, vector<16x4096xi32>
    %slice3A_1061 = vector.extract_strided_slice %reshape3A_1027 {offsets = [5, 0, 0], sizes = [1, 16, 4096], strides = [1, 1, 1]} : vector<8x16x4096xf32> to vector<1x16x4096xf32>
    %squeeze3A_1062 = vector.shape_cast %slice3A_1061 : vector<1x16x4096xf32> to vector<16x4096xf32>
    %gt3A_1063 = arith.cmpf ogt, %squeeze3A_1062, %select_n3A_1057 : vector<16x4096xf32>
    %select_n3A_1064 = arith.select %gt3A_1063, %squeeze3A_1062, %select_n3A_1057 : vector<16x4096xi1>, vector<16x4096xf32>
    %slice3A_1065 = vector.extract_strided_slice %reshape3A_1028 {offsets = [5, 0, 0], sizes = [1, 16, 4096], strides = [1, 1, 1]} : vector<8x16x4096xi32> to vector<1x16x4096xi32>
    %squeeze3A_1066 = vector.shape_cast %slice3A_1065 : vector<1x16x4096xi32> to vector<16x4096xi32>
    %select_n3A_1067 = arith.select %gt3A_1063, %squeeze3A_1066, %select_n3A_1060 : vector<16x4096xi1>, vector<16x4096xi32>
    %slice3A_1068 = vector.extract_strided_slice %reshape3A_1027 {offsets = [6, 0, 0], sizes = [1, 16, 4096], strides = [1, 1, 1]} : vector<8x16x4096xf32> to vector<1x16x4096xf32>
    %squeeze3A_1069 = vector.shape_cast %slice3A_1068 : vector<1x16x4096xf32> to vector<16x4096xf32>
    %gt3A_1070 = arith.cmpf ogt, %squeeze3A_1069, %select_n3A_1064 : vector<16x4096xf32>
    %select_n3A_1071 = arith.select %gt3A_1070, %squeeze3A_1069, %select_n3A_1064 : vector<16x4096xi1>, vector<16x4096xf32>
    %slice3A_1072 = vector.extract_strided_slice %reshape3A_1028 {offsets = [6, 0, 0], sizes = [1, 16, 4096], strides = [1, 1, 1]} : vector<8x16x4096xi32> to vector<1x16x4096xi32>
    %squeeze3A_1073 = vector.shape_cast %slice3A_1072 : vector<1x16x4096xi32> to vector<16x4096xi32>
    %select_n3A_1074 = arith.select %gt3A_1070, %squeeze3A_1073, %select_n3A_1067 : vector<16x4096xi1>, vector<16x4096xi32>
    %slice3A_1075 = vector.extract_strided_slice %reshape3A_1027 {offsets = [7, 0, 0], sizes = [1, 16, 4096], strides = [1, 1, 1]} : vector<8x16x4096xf32> to vector<1x16x4096xf32>
    %squeeze3A_1076 = vector.shape_cast %slice3A_1075 : vector<1x16x4096xf32> to vector<16x4096xf32>
    %gt3A_1077 = arith.cmpf ogt, %squeeze3A_1076, %select_n3A_1071 : vector<16x4096xf32>
    %select_n3A_1078 = arith.select %gt3A_1077, %squeeze3A_1076, %select_n3A_1071 : vector<16x4096xi1>, vector<16x4096xf32>
    %slice3A_1079 = vector.extract_strided_slice %reshape3A_1028 {offsets = [7, 0, 0], sizes = [1, 16, 4096], strides = [1, 1, 1]} : vector<8x16x4096xi32> to vector<1x16x4096xi32>
    %squeeze3A_1080 = vector.shape_cast %slice3A_1079 : vector<1x16x4096xi32> to vector<16x4096xi32>
    %select_n3A_1081 = arith.select %gt3A_1077, %squeeze3A_1080, %select_n3A_1074 : vector<16x4096xi1>, vector<16x4096xi32>
    %concatenate3A_1082 = tpu.concatenate %select_n3A_106, %select_n3A_234, %select_n3A_363, %select_n3A_492, %select_n3A_621, %select_n3A_750, %select_n3A_879, %select_n3A_1008, %select_n3A_1078 in 0 : vector<16x4096xf32>, vector<16x4096xf32>, vector<16x4096xf32>, vector<16x4096xf32>, vector<16x4096xf32>, vector<16x4096xf32>, vector<16x4096xf32>, vector<16x4096xf32>, vector<16x4096xf32> -> vector<144x4096xf32>
    %concatenate3A_1083 = tpu.concatenate %add3A_116, %add3A_245, %add3A_374, %add3A_503, %add3A_632, %add3A_761, %add3A_890, %add3A_1019, %select_n3A_1081 in 0 : vector<16x4096xi32>, vector<16x4096xi32>, vector<16x4096xi32>, vector<16x4096xi32>, vector<16x4096xi32>, vector<16x4096xi32>, vector<16x4096xi32>, vector<16x4096xi32>, vector<16x4096xi32> -> vector<144x4096xi32>
    %get3A_1084 = arith.constant 0 : index
    %get3A_1085 = arith.constant 0 : index
    %get3A_1086 = vector.load %arg5[%get3A_1084, %get3A_1085] : memref<8x4096xf32, #tpu.memory_space<vmem>>, vector<8x4096xf32>
    %get3A_1087 = arith.constant 0 : index
    %get3A_1088 = arith.constant 0 : index
    %get3A_1089 = vector.load %arg6[%get3A_1087, %get3A_1088] : memref<8x4096xi32, #tpu.memory_space<vmem>>, vector<8x4096xi32>
    %concatenate3A_1090 = tpu.concatenate %concatenate3A_1082, %get3A_1086 in 0 : vector<144x4096xf32>, vector<8x4096xf32> -> vector<152x4096xf32>
    %concatenate3A_1091 = tpu.concatenate %concatenate3A_1083, %get3A_1089 in 0 : vector<144x4096xi32>, vector<8x4096xi32> -> vector<152x4096xi32>
    %reduce_max3A = arith.constant dense<0xFF800000> : vector<4096xf32>
    %reduce_max3A_1092 = vector.multi_reduction <maximumf>, %concatenate3A_1090, %reduce_max3A [0] : vector<152x4096xf32> to vector<4096xf32>
    %broadcast_in_dim3A_1093 = vector.shape_cast %reduce_max3A_1092 : vector<4096xf32> to vector<1x4096xf32>
    %eq3A_1094 = vector.broadcast %broadcast_in_dim3A_1093 : vector<1x4096xf32> to vector<152x4096xf32>
    %eq3A_1095 = arith.cmpf oeq, %concatenate3A_1090, %eq3A_1094 : vector<152x4096xf32>
    %jit3A_1096 = arith.constant 1073741824 : i32
    %broadcast_in_dim3A_1097 = vector.broadcast %jit3A_1096 : i32 to vector<152x4096xi32>
    %select_n3A_1098 = arith.select %eq3A_1095, %concatenate3A_1091, %broadcast_in_dim3A_1097 : vector<152x4096xi1>, vector<152x4096xi32>
    %reduce_min3A = arith.constant dense<2147483647> : vector<4096xi32>
    %reduce_min3A_1099 = vector.multi_reduction <minsi>, %select_n3A_1098, %reduce_min3A [0] : vector<152x4096xi32> to vector<4096xi32>
    %jit3A_1100 = arith.constant 0xFF800000 : f32
    %broadcast_in_dim3A_1101 = vector.broadcast %jit3A_1100 : f32 to vector<152x4096xf32>
    %select_n3A_1102 = arith.select %eq3A_1095, %broadcast_in_dim3A_1101, %concatenate3A_1090 : vector<152x4096xi1>, vector<152x4096xf32>
    %reduce_max3A_1103 = arith.constant dense<0xFF800000> : vector<4096xf32>
    %reduce_max3A_1104 = vector.multi_reduction <maximumf>, %select_n3A_1102, %reduce_max3A_1103 [0] : vector<152x4096xf32> to vector<4096xf32>
    %broadcast_in_dim3A_1105 = vector.shape_cast %reduce_max3A_1104 : vector<4096xf32> to vector<1x4096xf32>
    %eq3A_1106 = vector.broadcast %broadcast_in_dim3A_1105 : vector<1x4096xf32> to vector<152x4096xf32>
    %eq3A_1107 = arith.cmpf oeq, %select_n3A_1102, %eq3A_1106 : vector<152x4096xf32>
    %jit3A_1108 = arith.constant 1073741824 : i32
    %broadcast_in_dim3A_1109 = vector.broadcast %jit3A_1108 : i32 to vector<152x4096xi32>
    %select_n3A_1110 = arith.select %eq3A_1107, %concatenate3A_1091, %broadcast_in_dim3A_1109 : vector<152x4096xi1>, vector<152x4096xi32>
    %reduce_min3A_1111 = arith.constant dense<2147483647> : vector<4096xi32>
    %reduce_min3A_1112 = vector.multi_reduction <minsi>, %select_n3A_1110, %reduce_min3A_1111 [0] : vector<152x4096xi32> to vector<4096xi32>
    %jit3A_1113 = arith.constant 0xFF800000 : f32
    %broadcast_in_dim3A_1114 = vector.broadcast %jit3A_1113 : f32 to vector<152x4096xf32>
    %select_n3A_1115 = arith.select %eq3A_1107, %broadcast_in_dim3A_1114, %select_n3A_1102 : vector<152x4096xi1>, vector<152x4096xf32>
    %reduce_max3A_1116 = arith.constant dense<0xFF800000> : vector<4096xf32>
    %reduce_max3A_1117 = vector.multi_reduction <maximumf>, %select_n3A_1115, %reduce_max3A_1116 [0] : vector<152x4096xf32> to vector<4096xf32>
    %broadcast_in_dim3A_1118 = vector.shape_cast %reduce_max3A_1117 : vector<4096xf32> to vector<1x4096xf32>
    %eq3A_1119 = vector.broadcast %broadcast_in_dim3A_1118 : vector<1x4096xf32> to vector<152x4096xf32>
    %eq3A_1120 = arith.cmpf oeq, %select_n3A_1115, %eq3A_1119 : vector<152x4096xf32>
    %jit3A_1121 = arith.constant 1073741824 : i32
    %broadcast_in_dim3A_1122 = vector.broadcast %jit3A_1121 : i32 to vector<152x4096xi32>
    %select_n3A_1123 = arith.select %eq3A_1120, %concatenate3A_1091, %broadcast_in_dim3A_1122 : vector<152x4096xi1>, vector<152x4096xi32>
    %reduce_min3A_1124 = arith.constant dense<2147483647> : vector<4096xi32>
    %reduce_min3A_1125 = vector.multi_reduction <minsi>, %select_n3A_1123, %reduce_min3A_1124 [0] : vector<152x4096xi32> to vector<4096xi32>
    %jit3A_1126 = arith.constant 0xFF800000 : f32
    %broadcast_in_dim3A_1127 = vector.broadcast %jit3A_1126 : f32 to vector<152x4096xf32>
    %select_n3A_1128 = arith.select %eq3A_1120, %broadcast_in_dim3A_1127, %select_n3A_1115 : vector<152x4096xi1>, vector<152x4096xf32>
    %reduce_max3A_1129 = arith.constant dense<0xFF800000> : vector<4096xf32>
    %reduce_max3A_1130 = vector.multi_reduction <maximumf>, %select_n3A_1128, %reduce_max3A_1129 [0] : vector<152x4096xf32> to vector<4096xf32>
    %broadcast_in_dim3A_1131 = vector.shape_cast %reduce_max3A_1130 : vector<4096xf32> to vector<1x4096xf32>
    %eq3A_1132 = vector.broadcast %broadcast_in_dim3A_1131 : vector<1x4096xf32> to vector<152x4096xf32>
    %eq3A_1133 = arith.cmpf oeq, %select_n3A_1128, %eq3A_1132 : vector<152x4096xf32>
    %jit3A_1134 = arith.constant 1073741824 : i32
    %broadcast_in_dim3A_1135 = vector.broadcast %jit3A_1134 : i32 to vector<152x4096xi32>
    %select_n3A_1136 = arith.select %eq3A_1133, %concatenate3A_1091, %broadcast_in_dim3A_1135 : vector<152x4096xi1>, vector<152x4096xi32>
    %reduce_min3A_1137 = arith.constant dense<2147483647> : vector<4096xi32>
    %reduce_min3A_1138 = vector.multi_reduction <minsi>, %select_n3A_1136, %reduce_min3A_1137 [0] : vector<152x4096xi32> to vector<4096xi32>
    %jit3A_1139 = arith.constant 0xFF800000 : f32
    %broadcast_in_dim3A_1140 = vector.broadcast %jit3A_1139 : f32 to vector<152x4096xf32>
    %select_n3A_1141 = arith.select %eq3A_1133, %broadcast_in_dim3A_1140, %select_n3A_1128 : vector<152x4096xi1>, vector<152x4096xf32>
    %reduce_max3A_1142 = arith.constant dense<0xFF800000> : vector<4096xf32>
    %reduce_max3A_1143 = vector.multi_reduction <maximumf>, %select_n3A_1141, %reduce_max3A_1142 [0] : vector<152x4096xf32> to vector<4096xf32>
    %broadcast_in_dim3A_1144 = vector.shape_cast %reduce_max3A_1143 : vector<4096xf32> to vector<1x4096xf32>
    %eq3A_1145 = vector.broadcast %broadcast_in_dim3A_1144 : vector<1x4096xf32> to vector<152x4096xf32>
    %eq3A_1146 = arith.cmpf oeq, %select_n3A_1141, %eq3A_1145 : vector<152x4096xf32>
    %jit3A_1147 = arith.constant 1073741824 : i32
    %broadcast_in_dim3A_1148 = vector.broadcast %jit3A_1147 : i32 to vector<152x4096xi32>
    %select_n3A_1149 = arith.select %eq3A_1146, %concatenate3A_1091, %broadcast_in_dim3A_1148 : vector<152x4096xi1>, vector<152x4096xi32>
    %reduce_min3A_1150 = arith.constant dense<2147483647> : vector<4096xi32>
    %reduce_min3A_1151 = vector.multi_reduction <minsi>, %select_n3A_1149, %reduce_min3A_1150 [0] : vector<152x4096xi32> to vector<4096xi32>
    %broadcast_in_dim3A_1152 = arith.constant 0xFF800000 : f32
    %broadcast_in_dim3A_1153 = vector.broadcast %broadcast_in_dim3A_1152 : f32 to vector<4096xf32>
    %broadcast_in_dim3A_1154 = arith.constant 0 : i32
    %broadcast_in_dim3A_1155 = vector.broadcast %broadcast_in_dim3A_1154 : i32 to vector<4096xi32>
    %stack3A = vector.shape_cast %reduce_max3A_1092 : vector<4096xf32> to vector<1x4096xf32>
    %stack3A_1156 = vector.shape_cast %reduce_max3A_1104 : vector<4096xf32> to vector<1x4096xf32>
    %stack3A_1157 = vector.shape_cast %reduce_max3A_1117 : vector<4096xf32> to vector<1x4096xf32>
    %stack3A_1158 = vector.shape_cast %reduce_max3A_1130 : vector<4096xf32> to vector<1x4096xf32>
    %stack3A_1159 = vector.shape_cast %reduce_max3A_1143 : vector<4096xf32> to vector<1x4096xf32>
    %stack3A_1160 = vector.shape_cast %broadcast_in_dim3A_1153 : vector<4096xf32> to vector<1x4096xf32>
    %stack3A_1161 = vector.shape_cast %broadcast_in_dim3A_1153 : vector<4096xf32> to vector<1x4096xf32>
    %stack3A_1162 = vector.shape_cast %broadcast_in_dim3A_1153 : vector<4096xf32> to vector<1x4096xf32>
    %stack3A_1163 = tpu.concatenate %stack3A, %stack3A_1156, %stack3A_1157, %stack3A_1158, %stack3A_1159, %stack3A_1160, %stack3A_1161, %stack3A_1162 in 0 : vector<1x4096xf32>, vector<1x4096xf32>, vector<1x4096xf32>, vector<1x4096xf32>, vector<1x4096xf32>, vector<1x4096xf32>, vector<1x4096xf32>, vector<1x4096xf32> -> vector<8x4096xf32>
    %stack3A_1164 = vector.shape_cast %reduce_min3A_1099 : vector<4096xi32> to vector<1x4096xi32>
    %stack3A_1165 = vector.shape_cast %reduce_min3A_1112 : vector<4096xi32> to vector<1x4096xi32>
    %stack3A_1166 = vector.shape_cast %reduce_min3A_1125 : vector<4096xi32> to vector<1x4096xi32>
    %stack3A_1167 = vector.shape_cast %reduce_min3A_1138 : vector<4096xi32> to vector<1x4096xi32>
    %stack3A_1168 = vector.shape_cast %reduce_min3A_1151 : vector<4096xi32> to vector<1x4096xi32>
    %stack3A_1169 = vector.shape_cast %broadcast_in_dim3A_1155 : vector<4096xi32> to vector<1x4096xi32>
    %stack3A_1170 = vector.shape_cast %broadcast_in_dim3A_1155 : vector<4096xi32> to vector<1x4096xi32>
    %stack3A_1171 = vector.shape_cast %broadcast_in_dim3A_1155 : vector<4096xi32> to vector<1x4096xi32>
    %stack3A_1172 = tpu.concatenate %stack3A_1164, %stack3A_1165, %stack3A_1166, %stack3A_1167, %stack3A_1168, %stack3A_1169, %stack3A_1170, %stack3A_1171 in 0 : vector<1x4096xi32>, vector<1x4096xi32>, vector<1x4096xi32>, vector<1x4096xi32>, vector<1x4096xi32>, vector<1x4096xi32>, vector<1x4096xi32>, vector<1x4096xi32> -> vector<8x4096xi32>
    %swap3A = arith.constant 0 : index
    %swap3A_1173 = arith.constant 0 : index
    %swap3A_1174 = vector.load %arg5[%swap3A, %swap3A_1173] : memref<8x4096xf32, #tpu.memory_space<vmem>>, vector<8x4096xf32>
    tpu.vector_store %arg5[%swap3A, %swap3A_1173], %stack3A_1163 {strides = array<i32>} : memref<8x4096xf32, #tpu.memory_space<vmem>>, vector<8x4096xf32>,
    %swap3A_1175 = arith.constant 0 : index
    %swap3A_1176 = arith.constant 0 : index
    %swap3A_1177 = vector.load %arg6[%swap3A_1175, %swap3A_1176] : memref<8x4096xi32, #tpu.memory_space<vmem>>, vector<8x4096xi32>
    tpu.vector_store %arg6[%swap3A_1175, %swap3A_1176], %stack3A_1172 {strides = array<i32>} : memref<8x4096xi32, #tpu.memory_space<vmem>>, vector<8x4096xi32>,
    %swap3A_1178 = arith.constant 0 : index
    %swap3A_1179 = arith.constant 0 : index
    %swap3A_1180 = vector.load %arg4[%swap3A_1178, %swap3A_1179] : memref<8x4096xi32, #tpu.memory_space<vmem>>, vector<8x4096xi32>
    tpu.vector_store %arg4[%swap3A_1178, %swap3A_1179], %stack3A_1172 {strides = array<i32>} : memref<8x4096xi32, #tpu.memory_space<vmem>>, vector<8x4096xi32>,
    return
  }
  func.func @transform_0(%arg0: i32, %arg1: i32) -> (i32, i32) {
    %c0_i32 = arith.constant 0 : i32
    %c0_i32_0 = arith.constant 0 : i32
    return %c0_i32, %arg0 : i32, i32
  }
  func.func @transform_1(%arg0: i32, %arg1: i32) -> (i32, i32) {
    %mul3A = arith.constant 128 : i32
    %mul3A_0 = arith.muli %arg1, %mul3A : i32
    %min3A = arith.constant 12372 : i32
    %min3A_1 = arith.minsi %mul3A_0, %min3A : i32
    %mul3A_2 = arith.constant 8 : i32
    %mul3A_3 = arith.muli %min3A_1, %mul3A_2 : i32
    %c0_i32 = arith.constant 0 : i32
    %c0_i32_4 = arith.constant 0 : i32
    return %mul3A_3, %c0_i32 : i32, i32
  }
  func.func @transform_2(%arg0: i32, %arg1: i32) -> (i32, i32) {
    %c0_i32 = arith.constant 0 : i32
    %c0_i32_0 = arith.constant 0 : i32
    return %c0_i32, %arg0 : i32, i32
  }
}

module attributes {stable_mosaic.version = 14 : i64} {
  func.func @_proj_body(%arg0: i32, %arg1: memref<5x512x768xf32, #tpu.memory_space<vmem>>, %arg2: memref<768x512xf32, #tpu.memory_space<vmem>>, %arg3: memref<1x512xf32, #tpu.memory_space<vmem>>, %arg4: memref<512x512xf32, #tpu.memory_space<vmem>>) attributes {dimension_semantics = [#tpu.dimension_semantics<parallel>], iteration_bounds = array<i64: 8>, scalar_prefetch = 0 : i64, scratch_operands = 0 : i64, tpu.core_type = #tpu.core_type<tc>, window_params = [{transform_indices = @transform_0, window_bounds = array<i64: 5, 512, 768>}, {pipeline_mode = #tpu.pipeline_mode<synchronous>, transform_indices = @transform_1, window_bounds = array<i64: 768, 512>}, {pipeline_mode = #tpu.pipeline_mode<synchronous>, transform_indices = @transform_2, window_bounds = array<i64: 1, 512>}, {transform_indices = @transform_3, window_bounds = array<i64: 512, 512>}]} {
    %get3A = arith.constant 0 : index
    %get3A_0 = arith.constant 0 : index
    %get3A_1 = arith.constant 0 : index
    %get3A_2 = vector.load %arg1[%get3A, %get3A_0, %get3A_1] : memref<5x512x768xf32, #tpu.memory_space<vmem>>, vector<5x512x768xf32>
    %reduce_sum3A = arith.constant dense<0.000000e+00> : vector<512x768xf32>
    %reduce_sum3A_3 = vector.multi_reduction <add>, %get3A_2, %reduce_sum3A [0] : vector<5x512x768xf32> to vector<512x768xf32>
    %mul3A = arith.constant 2.000000e-01 : f32
    %mul3A_4 = vector.broadcast %mul3A : f32 to vector<512x768xf32>
    %mul3A_5 = arith.mulf %reduce_sum3A_3, %mul3A_4 : vector<512x768xf32>
    %get3A_6 = arith.constant 0 : index
    %get3A_7 = arith.constant 0 : index
    %get3A_8 = vector.load %arg2[%get3A_6, %get3A_7] : memref<768x512xf32, #tpu.memory_space<vmem>>, vector<768x512xf32>
    %dot_general3A = arith.constant dense<0.000000e+00> : vector<512x512xf32>
    %dot_general3A_9 = tpu.matmul %mul3A_5, %get3A_8, %dot_general3A {dimension_numbers = #tpu.dot_dimension_numbers<[1], [0], [0], [1], [0, 0, 1, 1], [], []>, transpose_lhs_hint = false} : vector<512x768xf32>, vector<768x512xf32>, vector<512x512xf32> -> vector<512x512xf32>
    %get3A_10 = arith.constant 0 : index
    %get3A_11 = arith.constant 0 : index
    %get3A_12 = vector.load %arg3[%get3A_10, %get3A_11] : memref<1x512xf32, #tpu.memory_space<vmem>>, vector<1x512xf32>
    %add3A = vector.broadcast %get3A_12 : vector<1x512xf32> to vector<512x512xf32>
    %add3A_13 = arith.addf %dot_general3A_9, %add3A : vector<512x512xf32>
    %swap3A = arith.constant 0 : index
    %swap3A_14 = arith.constant 0 : index
    %swap3A_15 = vector.load %arg4[%swap3A, %swap3A_14] : memref<512x512xf32, #tpu.memory_space<vmem>>, vector<512x512xf32>
    tpu.vector_store %arg4[%swap3A, %swap3A_14], %add3A_13 {strides = array<i32>} : memref<512x512xf32, #tpu.memory_space<vmem>>, vector<512x512xf32>,
    return
  }
  func.func @transform_0(%arg0: i32) -> (i32, i32, i32) {
    %c0_i32 = arith.constant 0 : i32
    %c0_i32_0 = arith.constant 0 : i32
    %c0_i32_1 = arith.constant 0 : i32
    return %c0_i32, %arg0, %c0_i32_0 : i32, i32, i32
  }
  func.func @transform_1(%arg0: i32) -> (i32, i32) {
    %c0_i32 = arith.constant 0 : i32
    %c0_i32_0 = arith.constant 0 : i32
    %c0_i32_1 = arith.constant 0 : i32
    return %c0_i32, %c0_i32_0 : i32, i32
  }
  func.func @transform_2(%arg0: i32) -> (i32, i32) {
    %c0_i32 = arith.constant 0 : i32
    %c0_i32_0 = arith.constant 0 : i32
    %c0_i32_1 = arith.constant 0 : i32
    return %c0_i32, %c0_i32_0 : i32, i32
  }
  func.func @transform_3(%arg0: i32) -> (i32, i32) {
    %c0_i32 = arith.constant 0 : i32
    %c0_i32_0 = arith.constant 0 : i32
    return %arg0, %c0_i32 : i32, i32
  }
}

</mosaic_0001>

<sc_bundles>
// kernel: kernel.5.cloned.1.call-start
scs
__scs_entry_jumppad:
0x0: {  	(pc) =	sbr.rel $0x88, $3  }
0x1: {  	(tag) =	ssettag $0x0;
	lr =	simm.s32 $0x1  }
0x2: {  	[smem:$0x3F9D] =	sst lr;
	_ =	strace $0xD0000000  }
0x3: {  	_ = 	snop  }
0x4: {  	_ = 	snop  }
0x5: {  	_ = 	snop  }
0x6: {  	_ = 	snop  }
0x7: {  	_ = 	snop  }
__scs_overlays_trampoline_lowered:
0x8: {  	[smem:$0x3FAC] =	sst s0  }
0x9: {  	[smem:$0x3FAD] =	sst s1  }
0xa: {  	[smem:$0x3FAE] =	sst s2  }
0xb: {  	[smem:$0x3FAF] =	sst s3  }
0xc: {  	[smem:$0x3FB0] =	sst s4  }
0xd: {  	[smem:$0x3FB1] =	sst s5  }
0xe: {  	[smem:$0x3FB2] =	sst s6  }
0xf: {  	[smem:$0x3FB3] =	sst s7  }
0x10: {  	[smem:$0x3FB4] =	sst s8  }
0x11: {  	[smem:$0x3FB5] =	sst s9;
	s0 =	simm.s32 @!p0 $0x0  }
0x12: {  	s1 =	sld [smem:$0x3F9B];
	s0 =	simm.s32 @p0 $0x1  }
0x13: {  	[smem:$0x3FB6] =	sst s0;
	s0 =	simm.s32 @!p1 $0x0  }
0x14: {  	s2 =	sld [smem:$0x3F9A];
	s0 =	simm.s32 @p1 $0x1  }
0x15: {  	[smem:$0x3FB7] =	sst s0;
	s0 =	simm.s32 @!p2 $0x0  }
0x16: {  	s3 =	sld [smem:$0x3FDB];
	s0 =	simm.s32 @p2 $0x1  }
0x17: {  	s4 =	simm.s32 $0x1BF5;
	[smem:$0x3FB9] =	sst s0  }
0x18: {  	s0 =	sld [smem:$0x3F9C];
	_ =	swait.ge [sflag:s4], $0x0  }
0x19: {  	s7 =	sld [smem:$0x3F9D]  }
0x1a: {  	s8 =	sadd.s32 $0xFFFFE003, lr  }
0x1b: {  	s9 =	sadd.s32 $0xFFFFFEF7, lr;
	s5 =	simm.s32 $0xFFFFFFFF;
	p2 =	slt.u32 s8, $0xFFFFF086  }
0x1c: {  	p1 =	slt.u32 s9, $0xF7A;
	s5 =	simm.s32 @!p2 $0x0  }
0x1d: {  	s5 =	simm.s32 @p1 $0x1;
	p0 =	seq.s32 s7, s2  }
0x1e: {  	s7 =	smul.u32 @!p0 $0xF7A, s2;
	p2 =	seq.s32 @!p0 s5, $0x0  }
0x1f: {  	s9 =	smul.u32 $0xF7A, s1;
	s8 =	simm.s32 @!p0 $0x1BF5;
	p2 =	por !p2, p0  }
0x20: {  	[sflag:s8] =	ssyncset.s32 @!p0 $0xFFFFF086;
	s6 =	sadd.s32 @!p0 s3, s7;
	s7 =	simm.s32 @!p0 $0x108  }
0x21: {  	s3 =	sadd.s32 s3, s9;
	s6 =	sadd.s32 @!p0 $0x88, s6;
	s7 =	simm.s32 @p2 $0x1082  }
0x22: {  	[simem:s7], [sflag:s8] =	dma.local @!p0 [hbm:s6], $0xF7A  }
0x23: {  	s9 =	sor.u32 $0xD0000000, s2;
	s6 =	simm.s32 $0x108;
	_ =	swait.ge @!p0 [sflag:s8], $0x0  }
0x24: {  	s3 =	sadd.s32 $0x88, s3;
	s6 =	simm.s32 @!p1 $0x1082;
	[sflag:s4] =	ssyncset.s32 $0xFFFFF086  }
0x25: {  	[simem:s6], [sflag:s4] =	dma.local [hbm:s3], $0xF7A  }
0x26: {  	[smem:$0x3F9D] =	sst s1;
	(tag) =	ssettag s2;
	_ =	strace s9  }
0x27: {  	s1 =	sld [smem:$0x3FAD]  }
0x28: {  	s2 =	sld [smem:$0x3FAE]  }
0x29: {  	s4 =	sld [smem:$0x3FB0]  }
0x2a: {  	p0 =	seq.s32 s5, $0x0;
	s5 =	sld [smem:$0x3FB1]  }
0x2b: {  	s6 =	sld [smem:$0x3FB2]  }
0x2c: {  	s7 =	sld [smem:$0x3FB3]  }
0x2d: {  	s3 =	simm.s32 $0x108;
	s8 =	sld [smem:$0x3FB4]  }
0x2e: {  	s3 =	simm.s32 @!p0 $0x1082;
	s9 =	sld [smem:$0x3FB5]  }
0x2f: {  	lr =	sadd.s32 s0, s3;
	s0 =	sld [smem:$0x3FAC]  }
0x30: {  	s3 =	sld [smem:$0x3FAF]  }
0x31: {  	[smem:$0x3FB8] =	sst s10  }
0x32: {  	s10 =	sld [smem:$0x3FB6];
	_ =	sdelay $0x3  }
0x33: {  	p0 =	seq.s32 s10, $0x1;
	s10 =	sld [smem:$0x3FB8];
	_ =	sdelay $0x3  }
0x34: {  	[smem:$0x3FB8] =	sst s10  }
0x35: {  	s10 =	sld [smem:$0x3FB7];
	_ =	sdelay $0x3  }
0x36: {  	p1 =	seq.s32 s10, $0x1;
	s10 =	sld [smem:$0x3FB8];
	_ =	sdelay $0x3  }
0x37: {  	[smem:$0x3FB8] =	sst s10  }
0x38: {  	s10 =	sld [smem:$0x3FB9]  }
0x39: {  	_ = 	snop;
	(pc) =	sbr.ind lr, $3  }
0x3a: {  	_ = 	snop  }
0x3b: {  	_ = 	snop  }
0x3c: {  	p2 =	seq.s32 s10, $0x1;
	s10 =	sld [smem:$0x3FB8]  }
0x3d: {  	_ =	shalt  }
0x3e: {  	_ =	shalt  }
0x3f: {  	_ =	shalt  }
0x40: {  	_ =	shalt  }
0x41: {  	_ =	shalt  }
0x42: {  	_ =	shalt  }
0x43: {  	_ =	shalt  }
0x44: {  	_ =	shalt  }
0x45: {  	_ =	shalt  }
0x46: {  	_ =	shalt  }
0x47: {  	_ =	shalt  }
0x48: {  	_ =	shalt  }
0x49: {  	_ =	shalt  }
0x4a: {  	_ =	shalt  }
0x4b: {  	_ =	shalt  }
0x4c: {  	_ =	shalt  }
0x4d: {  	_ =	shalt  }
0x4e: {  	_ =	shalt  }
0x4f: {  	_ =	shalt  }
0x50: {  	_ =	shalt  }
0x51: {  	_ =	shalt  }
0x52: {  	_ =	shalt  }
0x53: {  	_ =	shalt  }
0x54: {  	_ =	shalt  }
0x55: {  	_ =	shalt  }
0x56: {  	_ =	shalt  }
0x57: {  	_ =	shalt  }
0x58: {  	_ =	shalt  }
0x59: {  	_ =	shalt  }
0x5a: {  	_ =	shalt  }
0x5b: {  	_ =	shalt  }
0x5c: {  	_ =	shalt  }
0x5d: {  	_ =	shalt  }
0x5e: {  	_ =	shalt  }
0x5f: {  	_ =	shalt  }
0x60: {  	_ =	shalt  }
0x61: {  	_ =	shalt  }
0x62: {  	_ =	shalt  }
0x63: {  	_ =	shalt  }
0x64: {  	_ =	shalt  }
0x65: {  	_ =	shalt  }
0x66: {  	_ =	shalt  }
0x67: {  	_ =	shalt  }
0x68: {  	_ =	shalt  }
0x69: {  	_ =	shalt  }
0x6a: {  	_ =	shalt  }
0x6b: {  	_ =	shalt  }
0x6c: {  	_ =	shalt  }
0x6d: {  	_ =	shalt  }
0x6e: {  	_ =	shalt  }
0x6f: {  	_ =	shalt  }
0x70: {  	_ =	shalt  }
0x71: {  	_ =	shalt  }
0x72: {  	_ =	shalt  }
0x73: {  	_ =	shalt  }
0x74: {  	_ =	shalt  }
0x75: {  	_ =	shalt  }
0x76: {  	_ =	shalt  }
0x77: {  	_ =	shalt  }
0x78: {  	_ =	shalt  }
0x79: {  	_ =	shalt  }
0x7a: {  	_ =	shalt  }
0x7b: {  	_ =	shalt  }
0x7c: {  	_ =	shalt  }
0x7d: {  	_ =	shalt  }
0x7e: {  	_ =	shalt  }
0x7f: {  	_ =	shalt  }
0x80: {  	_ =	shalt  }
0x81: {  	_ =	shalt  }
0x82: {  	_ =	shalt  }
0x83: {  	_ =	shalt  }
0x84: {  	_ =	shalt  }
0x85: {  	_ =	shalt  }
0x86: {  	_ =	shalt  }
0x87: {  	_ =	shalt  }
.Lfunc_end0:
.L_simem_size_0:
called_computation_lowered:
.L_overlay_start_0:
0x88: {  	s2 =	sld [smem:$0x3FD9]  }
0x89: {  	s3 =	sld [smem:$0x3FFE];
	_ =	sdelay $0x1  }
0x8a: {  	s1 =	srdreg.scid  }
0x8b: {  	s0 =	sand.u32 $0x1, s1  }
0x8c: {  	s17 =	sshll.u32 s0, $0xA;
	s2 =	sadd.s32 s3, s2  }
0x8d: {  	s2 =	sadd.s32 s2, s17  }
0x8e: {  	[smem:$0x3FC4] =	sst s2  }
0x8f: {  	_ = 	snop  }
0x90: {  	s2 =	sld [smem:$0x3FD0];
	(tm) =	ssettm $0x1  }
0x91: {  	s18 =	sld [smem:$0x3FFB];
	_ =	sdelay $0x3  }
0x92: {  	_ =	strace s18  }
0x93: {  	s3 =	sld [smem:$0x3FFC];
	_ =	sdelay $0x3  }
0x94: {  	_ =	strace s3  }
0x95: {  	s3 =	sld [smem:$0x3FFD];
	_ =	sdelay $0x3  }
0x96: {  	_ =	strace s3  }
0x97: {  	_ =	strace $0x8FFFFFFF  }
0x98: {  	s19 =	sld [smem:$0x3FDB];
	_ =	sdelay $0x1  }
0x99: {  	s4 =	simm.s32 $_scs_section_size  }
0x9a: {  	s5 =	simm.s32 $_size__tile_overlayer_lowered;
	s6 =	simm.s32 $_tile_overlayer_lowered  }
0x9b: {  	s22 =	simm.s32 $0x1BFF;
	s21 =	sshll.u32 s6, $0x1;
	s3 =	sadd.s32 s4, s19  }
0x9c: {  	s7 =	simm.s32 $0x0;
	s20 =	sshll.u32 s5, $0x1;
	s5 =	sadd.s32 s21, s3  }
0x9d: {  	[timem:s7], [sflag:s22] =	dma.local [hbm:s5], s20  }
0x9e: {  	_ =	swait.ge [sflag:s22], s20  }
0x9f: {  	s4 =	ssub.s32 $0x0, s20;
	[sflag:s22] =	ssyncset.done $0x0  }
0xa0: {  	[sflag:s22] =	ssyncadd.s32 s4;
	_ =	sdelay $0x1  }
0xa1: {  	s23 =	simm.s32 $0x1B8B  }
0xa2: {  	_ =	swait.ge [sflag:s23], $0x1  }
0xa3: {  	[sflag:s23] =	ssyncset.done $0x0  }
0xa4: {  	s25 =	simm.s32 $0x1B8E;
	s24 =	sld [smem:$0x3FFE];
	[sflag:s23] =	ssyncadd.s32 $0xFFFFFFFF  }
0xa5: {  	s26 =	simm.s32 $execute0_lowered;
	[smem:$0x3FD2] =	sst s25  }
0xa6: {  	s5 =	sshll.u32 s26, $0x1;
	_ =	strace $0x80000046;
	[dreg:$0x1] =	wrdreg $0xFFFFFFFF  }
0xa7: {  	s28 =	simm.s32 $_size_execute0_lowered;
	s3 =	sadd.s32 s3, s5;
	[dreg:$0x0] =	wrdreg $0x0  }
0xa8: {  	s5 =	sshll.u32 s28, $0x1;
	[dreg:$0x2] =	wrdreg s3  }
0xa9: {  	[dreg:$0x3] =	wrdreg s5  }
0xaa: {  	[dreg:$0x4] =	wrdreg $0xC0  }
0xab: {  	_ =	task [dreg:s7], $0x5FFFF  }
0xac: {  	[dreg:$0x1] =	wrdreg $0xFFFFFFFF  }
0xad: {  	[dreg:$0x0] =	wrdreg $0x60  }
0xae: {  	[dreg:$0x2] =	wrdreg s24  }
0xaf: {  	[dreg:$0x3] =	wrdreg s2  }
0xb0: {  	[dreg:$0x4] =	wrdreg $0x9  }
0xb1: {  	_ =	task.clear_ibuf [dreg:s7], $0x5FFFF;
	_ =	strace $0x90000046  }
0xb2: {  	s29 =	simm.s32 $0x9;
	_ =	strace $0x8000004F  }
0xb3: {  	_ =	swait.ge [sflag:s29], $0x1  }
0xb4: {  	[sflag:s29] =	ssyncadd.s32 $0xFFFFFFFF  }
0xb5: {  	_ =	strace $0x9000004F  }
0xb6: {  	_ =	sfence  }
0xb7: {  	s30 =	sld [smem:$0x0];
	_ =	sdelay $0x2  }
0xb8: {  	s31 =	sshll.u32 s1, $0xD;
	s1 =	sshrl.u32 s1, $0x2  }
0xb9: {  	s3 =	sand.u32 $0x4000, s31;
	s1 =	sadd.s32 s1, s30  }
0xba: {  	s0 =	sor.u32 s3, s0;
	s1 =	sshll.u32 s1, $0x11  }
0xbb: {  	s0 =	sor.u32 s1, s0  }
0xbc: {  	s0 =	sadd.s32 $0x8F2B, s0  }
0xbd: {  	[sflag:s0] =	ssyncadd.remote.s32 $0x1  }
0xbe: {  	_ =	sfence.sel $0xFFFF  }
0xbf: {  	[dreg:$0x0] =	wrdreg $0xFFFFFFFF;
	(pc) =	sbr.abs _section_cstart, $3  }
0xc0: {  	[dreg:$0x1] =	wrdreg $0xFFFFFFFF  }
0xc1: {  	_ =	task.clear_ibuf [dreg:s7], $0x2FFFF;
	_ =	strace $0x9FFFFFFF  }
0xc2: {  	(tm) =	ssettm $0x7FFFFFFF  }
0xc3: {  	_ =	shalt  }
tec
execute0_lowered:
.L_overlay_start_1:
0x0: {  	(tag) =	ssettag $0x1  }
0x1: {  	s7 =	rddreg [dreg:$0x0]  }
0x2: {  	s1 =	rddreg [dreg:$0x1]  }
0x3: {  	s0 =	rddreg [dreg:$0x2];
	s2 =	simm.s32 $0x0  }
0x4: {  	s3 =	srdreg.scid;
	s11 =	simm.s32 $0x0;
	[smem:$0x7FF] =	sst s2  }
0x5: {  	s5 =	sand.u32 $0x1, s3;
	s3 =	stileid.u32;
	s4 =	sadd.s32 $0x60A00, s7  }
0x6: {  	s8 =	sadd.s32 $0x988600, s7;
	s7 =	sadd.s32 $0x60B00, s7;
	s6 =	sshll.u32 s5, $0x4  }
0x7: {  	_ =	strace $0x80000047;
	s5 =	ssub.s32 $0x2, s5;
	s6 =	sor.u32 s3, s6  }
0x8: {  	v2 =	vlaneseq.u32;
	[dreg:$0x3] =	wrdreg s8;
	s9 =	sshrl.u32 s5, $0x1;
	s10 =	smul.u32 $0xA0, s6  }
0x9: {  	vm0 =	vmmov $0xffff;
	vm1 =	vmmov $0xff;
	v1 =	vshrl.u32 v2, $0x3;
	s31 =	ssub.s32 s5, s9;
	s5 =	smul.u32 $0xA, s6;
	s9 =	simm.s32 $0x5  }
0xa: {  	v0 =	vand.u32 $0x7, v2;
	v2 =	vor.u32 $0x8, v2;
	v1 =	vmul.u32 $0x8, v1;
	s8 =	smax.u32 s31, $0x1;
	s6 =	sadd.s32 s1, s10;
	s10 =	simm.s32 $0x4  }
.LBB2_1:
0xb: {  	_ =	strace $0x80000048;
	s12 =	simm.s32 $0xA  }
0xc: {  	s13 =	simm.s32 $0x0;
	s14 =	simm.s32 $0x0;
	s15 =	simm.s32 $0x0  }
0xd: {  	[tilespmem:s2], [sflag:$0x1] =	stream.linear.gather [hbm4b:s6+s2], $0x80, $0x200038;
	[tilespmem:$0x18100] =	vst v63  }
0xe: {  	s16 =	simm.s32 $0x0;
	s17 =	simm.s32 $0x1;
	_ =	strace $0x90000048  }
.LBB2_2:
0xf: {  	s18 =	smov.u32 s13;
	s13 =	sadd.s32 $0x1, s13  }
0x10: {  	p0 =	seq.s32 s13, $0xA  }
0x11: {  	s13 =	simm.s32 @p0 $0x0  }
0x12: {  	p6 =	sne.s32 s12, $0x1;
	p1 =	sne.s32 s18, s13  }
0x13: {  	p0 =	por !p6, !p1  }
0x14: {  	p0 =	por !p0, !p0  }
0x15: {  	s19 =	sadd.s32 @p0 s5, s13  }
0x16: {  	s20 =	sand.u32 @p0 $0x1, s17;
	s19 =	sshll.u32 @p0 s19, $0x4  }
0x17: {  	_ =	strace @p0 $0x80000049;
	s22 =	simm.s32 @p0 $0x0;
	s19 =	sand.u32 @p0 $0x1FFFFFF0, s19  }
0x18: {  	s21 =	sshll.u32 @p0 s20, $0x7;
	s20 =	sadd.s32 @p0 $0x1, s20;
	s19 =	sadd.s32 @p0 s1, s19  }
0x19: {  	[tilespmem:s21], [sflag:s20] =	stream.linear.gather @p0 [hbm4b:s19+s22], $0x80, $0x200038;
	[tilespmem:$0x18100] =	vst v63  }
0x1a: {  	s28 =	sand.u32 $0x1, s16;
	_ =	strace @p0 $0x90000049  }
0x1b: {  	s19 =	sadd.s32 $0x1, s28;
	_ =	strace $0x8000004A  }
0x1c: {  	_ =	swait.ge [sflag:s19], $0x80  }
0x1d: {  	[sflag:s19] =	ssyncset.done $0x0  }
0x1e: {  	[sflag:s19] =	ssyncadd.s32 $0xFFFFFF80  }
0x1f: {  	s29 =	sshll.u32 s16, $0x7;
	_ =	strace $0x9000004A  }
0x20: {  	s22 =	sand.u32 $0x80, s29;
	_ =	strace $0x8000004B  }
0x21: {  	v3 =	vld [tilespmem:s22+$0x0];
	_ =	sdelay $0x4  }
0x22: {  	v4 =	vshrl.u32 v3, $0x3  }
0x23: {  	v4 =	vmul.u32 $0x18, v4  }
0x24: {  	v3 =	vand.u32 $0x7, v3  }
0x25: {  	v3 =	vor.u32 v3, v4  }
0x26: {  	v4 =	vperm.xlane v3, v0;
	_ =	sdelay $0x1  }
0x27: {  	s19 =	sand.u32 $0x1, s15;
	v4 =	vadd.s32 v1, v4  }
0x28: {  	s30 =	smul.u32 $0x30000, s19  }
0x29: {  	v3 =	vperm.xlane v3, v2  }
0x2a: {  	s21 =	sshrl.u32 s30, $0x2  }
0x2b: {  	s20 =	sor.u32 $0x100, s21;
	v3 =	vadd.s32 v1, v3  }
0x2c: {  	[tilespmem:s20], [sflag:$0x5] =	stream.indirect_vreg.gather [hbm4b:s4+s2], $0x80, v4, vm0, $0x2000b8;
	[tilespmem:$0x18100] =	vst v63  }
0x2d: {  	s23 =	sor.u32 $0x900, s21  }
0x2e: {  	[tilespmem:s23], [sflag:$0x5] =	stream.indirect_vreg.gather [hbm4b:s7+s2], $0x80, v4, vm1, $0x2000b8;
	[tilespmem:$0x18100] =	vst v63  }
0x2f: {  	s31 =	sor.u32 $0xD00, s21  }
0x30: {  	[tilespmem:s31], [sflag:$0x5] =	stream.indirect_vreg.gather [hbm4b:s4+s2], $0x80, v3, vm0, $0x2000b8;
	[tilespmem:$0x18100] =	vst v63  }
0x31: {  	s24 =	sor.u32 $0x1500, s21  }
0x32: {  	[tilespmem:s24], [sflag:$0x5] =	stream.indirect_vreg.gather [hbm4b:s7+s2], $0x80, v3, vm1, $0x2000b8;
	[tilespmem:$0x18100] =	vst v63  }
0x33: {  	v3 =	vld [tilespmem:s22+$0x10];
	_ =	sdelay $0x4  }
0x34: {  	v57 =	vshrl.u32 v3, $0x3  }
0x35: {  	v4 =	vmul.u32 $0x18, v57  }
0x36: {  	v3 =	vand.u32 $0x7, v3  }
0x37: {  	v3 =	vor.u32 v3, v4  }
0x38: {  	v4 =	vperm.xlane v3, v0;
	_ =	sdelay $0x1  }
0x39: {  	v4 =	vadd.s32 v1, v4;
	_ =	sdelay $0x1  }
0x3a: {  	v3 =	vperm.xlane v3, v2;
	_ =	sdelay $0x1  }
0x3b: {  	s25 =	sor.u32 $0x1900, s21;
	v3 =	vadd.s32 v1, v3  }
0x3c: {  	[tilespmem:s25], [sflag:$0x5] =	stream.indirect_vreg.gather [hbm4b:s4+s2], $0x80, v4, vm0, $0x2000b8;
	[tilespmem:$0x18100] =	vst v63  }
0x3d: {  	s26 =	sor.u32 $0x2100, s21  }
0x3e: {  	[tilespmem:s26], [sflag:$0x5] =	stream.indirect_vreg.gather [hbm4b:s7+s2], $0x80, v4, vm1, $0x2000b8;
	[tilespmem:$0x18100] =	vst v63  }
0x3f: {  	s28 =	sor.u32 $0x2500, s21  }
0x40: {  	[tilespmem:s28], [sflag:$0x5] =	stream.indirect_vreg.gather [hbm4b:s4+s2], $0x80, v3, vm0, $0x2000b8;
	[tilespmem:$0x18100] =	vst v63  }
0x41: {  	s29 =	sor.u32 $0x2D00, s21  }
0x42: {  	[tilespmem:s29], [sflag:$0x5] =	stream.indirect_vreg.gather [hbm4b:s7+s2], $0x80, v3, vm1, $0x2000b8;
	[tilespmem:$0x18100] =	vst v63  }
0x43: {  	v3 =	vld [tilespmem:s22+$0x20];
	_ =	sdelay $0x4  }
0x44: {  	v58 =	vshrl.u32 v3, $0x3  }
0x45: {  	v4 =	vmul.u32 $0x18, v58  }
0x46: {  	v3 =	vand.u32 $0x7, v3  }
0x47: {  	v3 =	vor.u32 v3, v4  }
0x48: {  	v4 =	vperm.xlane v3, v0;
	_ =	sdelay $0x1  }
0x49: {  	v4 =	vadd.s32 v1, v4;
	_ =	sdelay $0x1  }
0x4a: {  	v3 =	vperm.xlane v3, v2;
	_ =	sdelay $0x1  }
0x4b: {  	s30 =	sor.u32 $0x3100, s21;
	v3 =	vadd.s32 v1, v3  }
0x4c: {  	[tilespmem:s30], [sflag:$0x5] =	stream.indirect_vreg.gather [hbm4b:s4+s2], $0x80, v4, vm0, $0x2000b8;
	[tilespmem:$0x18100] =	vst v63  }
0x4d: {  	s31 =	sor.u32 $0x3900, s21  }
0x4e: {  	[tilespmem:s31], [sflag:$0x5] =	stream.indirect_vreg.gather [hbm4b:s7+s2], $0x80, v4, vm1, $0x2000b8;
	[tilespmem:$0x18100] =	vst v63  }
0x4f: {  	s24 =	sor.u32 $0x3D00, s21  }
0x50: {  	[tilespmem:s24], [sflag:$0x5] =	stream.indirect_vreg.gather [hbm4b:s4+s2], $0x80, v3, vm0, $0x2000b8;
	[tilespmem:$0x18100] =	vst v63  }
0x51: {  	s25 =	sadd.s32 $0x4500, s21  }
0x52: {  	[tilespmem:s25], [sflag:$0x5] =	stream.indirect_vreg.gather [hbm4b:s7+s2], $0x80, v3, vm1, $0x2000b8;
	[tilespmem:$0x18100] =	vst v63  }
0x53: {  	v3 =	vld [tilespmem:s22+$0x30];
	_ =	sdelay $0x4  }
0x54: {  	v59 =	vshrl.u32 v3, $0x3  }
0x55: {  	v4 =	vmul.u32 $0x18, v59  }
0x56: {  	v3 =	vand.u32 $0x7, v3  }
0x57: {  	v3 =	vor.u32 v3, v4  }
0x58: {  	v4 =	vperm.xlane v3, v0;
	_ =	sdelay $0x1  }
0x59: {  	v4 =	vadd.s32 v1, v4;
	_ =	sdelay $0x1  }
0x5a: {  	v3 =	vperm.xlane v3, v2;
	_ =	sdelay $0x1  }
0x5b: {  	s26 =	sadd.s32 $0x4900, s21;
	v3 =	vadd.s32 v1, v3  }
0x5c: {  	[tilespmem:s26], [sflag:$0x5] =	stream.indirect_vreg.gather [hbm4b:s4+s2], $0x80, v4, vm0, $0x2000b8;
	[tilespmem:$0x18100] =	vst v63  }
0x5d: {  	s28 =	sadd.s32 $0x5100, s21  }
0x5e: {  	[tilespmem:s28], [sflag:$0x5] =	stream.indirect_vreg.gather [hbm4b:s7+s2], $0x80, v4, vm1, $0x2000b8;
	[tilespmem:$0x18100] =	vst v63  }
0x5f: {  	s29 =	sadd.s32 $0x5500, s21  }
0x60: {  	[tilespmem:s29], [sflag:$0x5] =	stream.indirect_vreg.gather [hbm4b:s4+s2], $0x80, v3, vm0, $0x2000b8;
	[tilespmem:$0x18100] =	vst v63  }
0x61: {  	s30 =	sadd.s32 $0x5D00, s21  }
0x62: {  	[tilespmem:s30], [sflag:$0x5] =	stream.indirect_vreg.gather [hbm4b:s7+s2], $0x80, v3, vm1, $0x2000b8;
	[tilespmem:$0x18100] =	vst v63  }
0x63: {  	v3 =	vld [tilespmem:s22+$0x40];
	_ =	sdelay $0x4  }
0x64: {  	v60 =	vshrl.u32 v3, $0x3  }
0x65: {  	v4 =	vmul.u32 $0x18, v60  }
0x66: {  	v3 =	vand.u32 $0x7, v3  }
0x67: {  	v3 =	vor.u32 v3, v4  }
0x68: {  	v4 =	vperm.xlane v3, v0;
	_ =	sdelay $0x1  }
0x69: {  	v4 =	vadd.s32 v1, v4;
	_ =	sdelay $0x1  }
0x6a: {  	v3 =	vperm.xlane v3, v2;
	_ =	sdelay $0x1  }
0x6b: {  	s31 =	sadd.s32 $0x6100, s21;
	v3 =	vadd.s32 v1, v3  }
0x6c: {  	[tilespmem:s31], [sflag:$0x5] =	stream.indirect_vreg.gather [hbm4b:s4+s2], $0x80, v4, vm0, $0x2000b8;
	[tilespmem:$0x18100] =	vst v63  }
0x6d: {  	s24 =	sadd.s32 $0x6900, s21  }
0x6e: {  	[tilespmem:s24], [sflag:$0x5] =	stream.indirect_vreg.gather [hbm4b:s7+s2], $0x80, v4, vm1, $0x2000b8;
	[tilespmem:$0x18100] =	vst v63  }
0x6f: {  	s25 =	sadd.s32 $0x6D00, s21  }
0x70: {  	[tilespmem:s25], [sflag:$0x5] =	stream.indirect_vreg.gather [hbm4b:s4+s2], $0x80, v3, vm0, $0x2000b8;
	[tilespmem:$0x18100] =	vst v63  }
0x71: {  	s26 =	sadd.s32 $0x7500, s21  }
0x72: {  	[tilespmem:s26], [sflag:$0x5] =	stream.indirect_vreg.gather [hbm4b:s7+s2], $0x80, v3, vm1, $0x2000b8;
	[tilespmem:$0x18100] =	vst v63  }
0x73: {  	v3 =	vld [tilespmem:s22+$0x50];
	_ =	sdelay $0x4  }
0x74: {  	v61 =	vshrl.u32 v3, $0x3  }
0x75: {  	v4 =	vmul.u32 $0x18, v61  }
0x76: {  	v3 =	vand.u32 $0x7, v3  }
0x77: {  	v3 =	vor.u32 v3, v4  }
0x78: {  	v4 =	vperm.xlane v3, v0;
	_ =	sdelay $0x1  }
0x79: {  	v4 =	vadd.s32 v1, v4;
	_ =	sdelay $0x1  }
0x7a: {  	v3 =	vperm.xlane v3, v2;
	_ =	sdelay $0x1  }
0x7b: {  	s28 =	sadd.s32 $0x7900, s21;
	v3 =	vadd.s32 v1, v3  }
0x7c: {  	[tilespmem:s28], [sflag:$0x5] =	stream.indirect_vreg.gather [hbm4b:s4+s2], $0x80, v4, vm0, $0x2000b8;
	[tilespmem:$0x18100] =	vst v63  }
0x7d: {  	s29 =	sadd.s32 $0x8100, s21  }
0x7e: {  	[tilespmem:s29], [sflag:$0x5] =	stream.indirect_vreg.gather [hbm4b:s7+s2], $0x80, v4, vm1, $0x2000b8;
	[tilespmem:$0x18100] =	vst v63  }
0x7f: {  	s30 =	sadd.s32 $0x8500, s21  }
0x80: {  	[tilespmem:s30], [sflag:$0x5] =	stream.indirect_vreg.gather [hbm4b:s4+s2], $0x80, v3, vm0, $0x2000b8;
	[tilespmem:$0x18100] =	vst v63  }
0x81: {  	s31 =	sadd.s32 $0x8D00, s21  }
0x82: {  	[tilespmem:s31], [sflag:$0x5] =	stream.indirect_vreg.gather [hbm4b:s7+s2], $0x80, v3, vm1, $0x2000b8;
	[tilespmem:$0x18100] =	vst v63  }
0x83: {  	v3 =	vld [tilespmem:s22+$0x60];
	_ =	sdelay $0x4  }
0x84: {  	v62 =	vshrl.u32 v3, $0x3  }
0x85: {  	v4 =	vmul.u32 $0x18, v62  }
0x86: {  	v3 =	vand.u32 $0x7, v3  }
0x87: {  	v3 =	vor.u32 v3, v4  }
0x88: {  	v4 =	vperm.xlane v3, v0;
	_ =	sdelay $0x1  }
0x89: {  	v4 =	vadd.s32 v1, v4;
	_ =	sdelay $0x1  }
0x8a: {  	v3 =	vperm.xlane v3, v2;
	_ =	sdelay $0x1  }
0x8b: {  	s24 =	sadd.s32 $0x9100, s21;
	v3 =	vadd.s32 v1, v3  }
0x8c: {  	[tilespmem:s24], [sflag:$0x5] =	stream.indirect_vreg.gather [hbm4b:s4+s2], $0x80, v4, vm0, $0x2000b8;
	[tilespmem:$0x18100] =	vst v63  }
0x8d: {  	s25 =	sadd.s32 $0x9900, s21  }
0x8e: {  	[tilespmem:s25], [sflag:$0x5] =	stream.indirect_vreg.gather [hbm4b:s7+s2], $0x80, v4, vm1, $0x2000b8;
	[tilespmem:$0x18100] =	vst v63  }
0x8f: {  	s26 =	sadd.s32 $0x9D00, s21  }
0x90: {  	[tilespmem:s26], [sflag:$0x5] =	stream.indirect_vreg.gather [hbm4b:s4+s2], $0x80, v3, vm0, $0x2000b8;
	[tilespmem:$0x18100] =	vst v63  }
0x91: {  	s28 =	sadd.s32 $0xA500, s21  }
0x92: {  	[tilespmem:s28], [sflag:$0x5] =	stream.indirect_vreg.gather [hbm4b:s7+s2], $0x80, v3, vm1, $0x2000b8;
	[tilespmem:$0x18100] =	vst v63  }
0x93: {  	v3 =	vld [tilespmem:s22+$0x70];
	_ =	sdelay $0x4  }
0x94: {  	v63 =	vshrl.u32 v3, $0x3  }
0x95: {  	v4 =	vmul.u32 $0x18, v63  }
0x96: {  	v3 =	vand.u32 $0x7, v3  }
0x97: {  	v3 =	vor.u32 v3, v4  }
0x98: {  	v4 =	vperm.xlane v3, v0;
	_ =	sdelay $0x1  }
0x99: {  	v4 =	vadd.s32 v1, v4;
	_ =	sdelay $0x1  }
0x9a: {  	v3 =	vperm.xlane v3, v2;
	_ =	sdelay $0x1  }
0x9b: {  	s29 =	sadd.s32 $0xA900, s21;
	v3 =	vadd.s32 v1, v3  }
0x9c: {  	[tilespmem:s29], [sflag:$0x5] =	stream.indirect_vreg.gather [hbm4b:s4+s2], $0x80, v4, vm0, $0x2000b8;
	[tilespmem:$0x18100] =	vst v63  }
0x9d: {  	s30 =	sadd.s32 $0xB100, s21  }
0x9e: {  	[tilespmem:s30], [sflag:$0x5] =	stream.indirect_vreg.gather [hbm4b:s7+s2], $0x80, v4, vm1, $0x2000b8;
	[tilespmem:$0x18100] =	vst v63  }
0x9f: {  	s31 =	sadd.s32 $0xB500, s21  }
0xa0: {  	[tilespmem:s31], [sflag:$0x5] =	stream.indirect_vreg.gather [hbm4b:s4+s2], $0x80, v3, vm0, $0x2000b8;
	[tilespmem:$0x18100] =	vst v63  }
0xa1: {  	s21 =	sadd.s32 $0xBD00, s21  }
0xa2: {  	[tilespmem:s21], [sflag:$0x5] =	stream.indirect_vreg.gather [hbm4b:s7+s2], $0x80, v3, vm1, $0x2000b8;
	[tilespmem:$0x18100] =	vst v63  }
0xa3: {  	_ =	swait.ge [sflag:s9], $0xC000  }
0xa4: {  	[sflag:s9] =	ssyncset.done $0x0  }
0xa5: {  	p2 =	seq.s32 s12, $0x1;
	[sflag:s9] =	ssyncadd.s32 $0xFFFF4000  }
0xa6: {  	s18 =	sadd.s32 s5, s18;
	p1 =	por p2, p1;
	_ =	strace $0x9000004B  }
0xa7: {  	s18 =	smul.u32 @p1 $0x1800, s18;
	s22 =	simm.s32 $0x1;
	_ =	strace @p1 $0x8000004C  }
0xa8: {  	s19 =	sadd.s32 @p1 $0x3, s19;
	s22 =	simm.s32 @!p0 $0x0;
	s21 =	rddreg [dreg:$0x3]  }
0xa9: {  	p0 =	seq.s32 s12, $0xA;
	s18 =	sadd.s32 @p1 s21, s18;
	s21 =	simm.s32 @p1 $0x0  }
0xaa: {  	[hbm4b:s18+s21] =	stream.linear.scatter @p1 [tilespmem:s20], [sflag:s19], $0xC000, $0x200038;
	[tilespmem:$0x18100] =	vst v63  }
0xab: {  	s18 =	simm.s32 $0x1;
	s20 =	simm.s32 $0x1;
	_ =	strace @p1 $0x9000004C  }
0xac: {  	s18 =	simm.s32 @!p1 $0x0;
	p1 =	sne.s32 s12, $0xA;
	s12 =	sadd.s32 $0xFFFFFFFF, s12  }
0xad: {  	s19 =	sand.u32 @!p0 $0x1, s14;
	s20 =	simm.s32 @!p1 $0x0;
	p1 =	sne.s32 s12, $0x0  }
.Ltmp0:
0xae: {  	s19 =	sadd.s32 @!p0 $0x3, s19;
	_ =	strace @!p0 $0x8000004D;
	(pc) =	sbr.rel @p1 .LBB2_2-.Ltmp0, $4  }
0xaf: {  	_ =	swait.ge @!p0 [sflag:s19], $0xC000  }
0xb0: {  	[sflag:s19] =	ssyncset.done @!p0 $0x0  }
0xb1: {  	s17 =	sadd.s32 s22, s17;
	s15 =	sadd.s32 s18, s15;
	[sflag:s19] =	ssyncadd.s32 @!p0 $0xFFFF4000  }
0xb2: {  	s16 =	sadd.s32 s18, s16;
	s14 =	sadd.s32 s20, s14;
	_ =	strace @!p0 $0x9000004D  }
0xb3: {  	s11 =	sadd.s32 $0x1, s11  }
0xb4: {  	p0 =	sne.s32 s11, s8  }
.Ltmp1:
0xb5: {  	_ =	strace $0x8000004E;
	(pc) =	sbr.rel @p0 .LBB2_1-.Ltmp1, $4  }
0xb6: {  	_ =	swait.ge [sflag:s10], $0xC000  }
0xb7: {  	[sflag:s10] =	ssyncset.done $0x0  }
0xb8: {  	[sflag:s10] =	ssyncadd.s32 $0xFFFF4000  }
0xb9: {  	_ =	strace $0x9000004E  }
0xba: {  	_ =	sfence.sel $0x180000  }
0xbb: {  	[bflag:$0x0] =	sbarrier.arrive $0xFFFF  }
0xbc: {  	p0 =	sne.s32 s3, $0x0;
	_ =	strace $0x90000047  }
0xbd: {  	s0 =	sadd.s32 @!p0 $0x100000, s0;
	[bflag:$0x2] =	sbarrier.arrive $0xFFFF  }
0xbe: {  	[sflag:s0] =	ssyncadd.tile.s32 @!p0 $0x1;
	_ =	shalt  }
.Lfunc_end2:
_tile_overlayer_lowered:
.L_overlay_start_2:
0xbf: {  	(tag) =	ssettag $0x2  }
0xc0: {  	s0 =	rddreg [dreg:$0x0];
	s2 =	stileid.u32  }
0xc1: {  	s1 =	rddreg [dreg:$0x1];
	p0 =	sne.s32 s2, $0x0  }
0xc2: {  	s3 =	rddreg [dreg:$0x2];
	[bflag:$0x3] =	sbarrier.arrive $0xFFFF;
	s2 =	simm.s32 @!p0 $0x1C01  }
0xc3: {  	[timem:s3], [sflag:s2] =	dma.local @!p0 [hbm:s0], s1  }
0xc4: {  	s0 =	simm.s32 @!p0 $0x1  }
0xc5: {  	_ =	swait.ge @!p0 [sflag:s0], s1  }
0xc6: {  	s1 =	ssub.s32 @!p0 $0x0, s1;
	[sflag:s0] =	ssyncset.done @!p0 $0x0  }
0xc7: {  	[sflag:s0] =	ssyncadd.s32 @!p0 s1  }
0xc8: {  	[bflag:$0x3] =	sbarrier.arrive $0xFFFF  }
0xc9: {  	_ =	shalt  }

</sc_bundles>
